<compile_context>
chip_gen: v7x
topology: tpu7x:2x2x1
jax: 0.10.2.dev20260603
libtpu: 0.0.44.dev20260713+nightly
codegen_flags: <defaults>
</compile_context>

<pallas_src>
import functools

import jax
import jax.numpy as jnp
from jax import lax
from jax.experimental import pallas as pl
from jax.experimental.pallas import tpu as pltpu
from jax.experimental.pallas import tpu_sc as plsc

_B = 8
_C = 80
_N = 20000
_MAX_DET = 100
_PRE_TOPK = 512
_IOU_THR = 0.5
_SCORE_THR = 0.25

_NS = 8
_NL = _N // _NS
_LANES = 16


def _float_key(bits):
    return jnp.where(bits >= 0, bits, bits ^ jnp.int32(0x7FFFFFFF))


def _k1a_body(x_ref, maxsc_ref, cls_ref):
    xs = x_ref[0]
    ci8 = lax.broadcasted_iota(jnp.int32, (8, _N), 0)
    m8 = xs[4:12, :]
    c8 = ci8
    for g in range(1, 10):
        blk = xs[4 + 8 * g: 12 + 8 * g, :]
        upd = blk > m8
        c8 = jnp.where(upd, ci8 + 8 * g, c8)
        m8 = jnp.maximum(m8, blk)
    m4 = jnp.maximum(m8[:4], m8[4:])
    c4 = jnp.where(m8[:4] >= m8[4:], c8[:4], c8[4:])
    m2 = jnp.maximum(m4[:2], m4[2:])
    c2 = jnp.where(m4[:2] >= m4[2:], c4[:2], c4[2:])
    m1 = jnp.maximum(m2[:1], m2[1:])
    c1 = jnp.where(m2[:1] >= m2[1:], c2[:1], c2[1:])
    maxsc_ref[0] = m1
    cls_ref[0] = c1


def _k1a_call(x):
    return pl.pallas_call(
        _k1a_body,
        grid=(_B,),
        in_specs=[pl.BlockSpec((1, 4 + _C, _N), lambda b: (b, 0, 0))],
        out_specs=[
            pl.BlockSpec((1, 1, _N), lambda b: (b, 0, 0)),
            pl.BlockSpec((1, 1, _N), lambda b: (b, 0, 0)),
        ],
        out_shape=[
            jax.ShapeDtypeStruct((_B, 1, _N), jnp.float32),
            jax.ShapeDtypeStruct((_B, 1, _N), jnp.int32),
        ],
    )(x)


def _k1b_body(maxsc_ref, tau_ref, bound_ref):
    M = maxsc_ref[...]
    key = _float_key(lax.bitcast_convert_type(M, jnp.int32))
    kmin = jnp.min(key, axis=(1, 2), keepdims=True)
    kmax = jnp.max(key, axis=(1, 2), keepdims=True)

    def cnt_ge(v):
        return jnp.sum(jnp.where(key >= v, 1.0, 0.0), axis=(1, 2),
                       keepdims=True)

    topkf = float(_PRE_TOPK)

    def sbody(_, carry):
        lo, hi = carry
        w = hi - lo
        q1 = lo + w // 4
        q2 = lo + w // 2
        q3 = q2 + w // 4
        c1 = cnt_ge(q1) >= topkf
        c2 = cnt_ge(q2) >= topkf
        c3 = cnt_ge(q3) >= topkf
        lo2 = jnp.where(c3, q3, jnp.where(c2, q2, jnp.where(c1, q1, lo)))
        hi2 = jnp.where(c3, hi, jnp.where(c2, q3, jnp.where(c1, q2, q1)))
        return lo2, hi2

    lo, _hi = lax.fori_loop(0, 16, sbody, (kmin, kmax + 1))
    tau = lo
    n_tie = topkf - jnp.sum(jnp.where(key > tau, 1.0, 0.0), axis=(1, 2),
                            keepdims=True)

    flat = (lax.broadcasted_iota(jnp.int32, (_B, _NS, _NL), 1) * _NL
            + lax.broadcasted_iota(jnp.int32, (_B, _NS, _NL), 2))
    eqm = key == tau

    def cnt_lt(v):
        return jnp.sum(jnp.where(eqm & (flat < v), 1.0, 0.0), axis=(1, 2),
                       keepdims=True)

    def tbody(_, carry):
        lo2, hi2 = carry
        w = hi2 - lo2
        q1 = lo2 + w // 4
        q2 = lo2 + w // 2
        q3 = q2 + w // 4
        c1 = cnt_lt(q1) >= n_tie
        c2 = cnt_lt(q2) >= n_tie
        c3 = cnt_lt(q3) >= n_tie
        lo3 = jnp.where(c1, lo2, jnp.where(c2, q1, jnp.where(c3, q2, q3)))
        hi3 = jnp.where(c1, q1, jnp.where(c2, q2, jnp.where(c3, q3, hi2)))
        return lo3, hi3

    zero = jnp.zeros((_B, 1, 1), jnp.int32)
    _lo2, bound = lax.fori_loop(0, 8, tbody, (zero, zero + _N))

    tau_bits = _float_key(tau)
    tau_f = lax.bitcast_convert_type(tau_bits, jnp.float32)
    tau_ref[...] = jnp.broadcast_to(tau_f, (_B, 1, 16))
    bound_ref[...] = jnp.broadcast_to(bound, (_B, 1, 16))


def _k1b_call(maxsc):
    return pl.pallas_call(
        _k1b_body,
        out_shape=[
            jax.ShapeDtypeStruct((_B, 1, 16), jnp.float32),
            jax.ShapeDtypeStruct((_B, 1, 16), jnp.int32),
        ],
    )(maxsc)


def _k1_call(x):
    maxsc, cls8 = _k1a_call(x)
    maxsc = maxsc.reshape(_B, _NS, _NL)
    tau, bound = _k1b_call(maxsc)
    return maxsc, cls8, tau, bound


def _k2_body(maxsc_hbm, cls_hbm, x_hbm, tau_hbm, bnd_hbm,
             sc_out, cls_out, bx_out,
             sc_v, cls_v, cx_v, cy_v, w_v, h_v,
             tau_v, bnd_v, idx_v, osc_v, ocls_v, o0, o1, o2, o3):
    c = lax.axis_index("c")
    s = lax.axis_index("s")
    wid = s * 2 + c

    @pl.when(wid < _B)
    def _():
        b = wid
        pltpu.sync_copy(maxsc_hbm.at[b], sc_v)
        pltpu.sync_copy(cls_hbm.at[b], cls_v)
        pltpu.sync_copy(x_hbm.at[b, 0], cx_v)
        pltpu.sync_copy(x_hbm.at[b, 1], cy_v)
        pltpu.sync_copy(x_hbm.at[b, 2], w_v)
        pltpu.sync_copy(x_hbm.at[b, 3], h_v)
        pltpu.sync_copy(tau_hbm.at[b], tau_v)
        pltpu.sync_copy(bnd_hbm.at[b], bnd_v)
        tau = tau_v[...]
        bndf = bnd_v[...].astype(jnp.float32)
        lane = lax.iota(jnp.int32, _LANES)

        def body(i, cur):
            v = sc_v[pl.ds(i * _LANES, _LANES)]
            cl = cls_v[pl.ds(i * _LANES, _LANES)]
            idx = lane + i * _LANES
            idxf = idx.astype(jnp.float32)
            sel = (v > tau) | ((v == tau) & (idxf < bndf))
            csum = plsc.cumsum(sel.astype(jnp.int32))
            pos = csum + (cur - 1)
            plsc.store_scatter(idx_v, [pos], idx, mask=sel)
            plsc.store_scatter(osc_v, [pos], v, mask=sel)
            plsc.store_scatter(ocls_v, [pos], cl, mask=sel)
            return cur + plsc.all_reduce_population_count(sel)

        lax.fori_loop(0, _N // _LANES, body,
                      jnp.zeros((_LANES,), jnp.int32), unroll=4)

        def gbody(i, _):
            sl = pl.ds(i * _LANES, _LANES)
            ii = idx_v[sl]
            cx = plsc.load_gather(cx_v, [ii])
            cy = plsc.load_gather(cy_v, [ii])
            w = plsc.load_gather(w_v, [ii])
            h = plsc.load_gather(h_v, [ii])
            o0[sl] = cx - w * 0.5
            o1[sl] = cy - h * 0.5
            o2[sl] = cx + w * 0.5
            o3[sl] = cy + h * 0.5
            return 0

        lax.fori_loop(0, _PRE_TOPK // _LANES, gbody, 0, unroll=4)

        pltpu.sync_copy(osc_v, sc_out.at[b])
        pltpu.sync_copy(ocls_v, cls_out.at[b])
        pltpu.sync_copy(o0, bx_out.at[b, 0])
        pltpu.sync_copy(o1, bx_out.at[b, 1])
        pltpu.sync_copy(o2, bx_out.at[b, 2])
        pltpu.sync_copy(o3, bx_out.at[b, 3])


def _k2_call(maxsc, cls8, x, tau, bound):
    mesh = plsc.VectorSubcoreMesh(core_axis_name="c", subcore_axis_name="s")
    f = functools.partial(
        pl.kernel,
        out_type=[
            jax.ShapeDtypeStruct((_B, _PRE_TOPK), jnp.float32),
            jax.ShapeDtypeStruct((_B, _PRE_TOPK), jnp.int32),
            jax.ShapeDtypeStruct((_B, 4, _PRE_TOPK), jnp.float32),
        ],
        mesh=mesh,
        compiler_params=pltpu.CompilerParams(needs_layout_passes=False),
        scratch_types=[
            pltpu.VMEM((_N,), jnp.float32),
            pltpu.VMEM((_N,), jnp.int32),
            pltpu.VMEM((_N,), jnp.float32),
            pltpu.VMEM((_N,), jnp.float32),
            pltpu.VMEM((_N,), jnp.float32),
            pltpu.VMEM((_N,), jnp.float32),
            pltpu.VMEM((16,), jnp.float32),
            pltpu.VMEM((16,), jnp.int32),
            pltpu.VMEM((_PRE_TOPK,), jnp.int32),
            pltpu.VMEM((_PRE_TOPK,), jnp.float32),
            pltpu.VMEM((_PRE_TOPK,), jnp.int32),
            pltpu.VMEM((_PRE_TOPK,), jnp.float32),
            pltpu.VMEM((_PRE_TOPK,), jnp.float32),
            pltpu.VMEM((_PRE_TOPK,), jnp.float32),
            pltpu.VMEM((_PRE_TOPK,), jnp.float32),
        ],
    )(_k2_body)
    return f(maxsc, cls8, x, tau, bound)


def _k3_body(sc_ref, cls_ref, bx_ref, nd_ref, db_ref, ds_ref, dc_ref):
    sc = sc_ref[...]
    clsf = cls_ref[...].astype(jnp.float32)
    x1 = bx_ref[:, 0, :]
    y1 = bx_ref[:, 1, :]
    x2 = bx_ref[:, 2, :]
    y2 = bx_ref[:, 3, :]
    area = jnp.clip(x2 - x1, 0.0) * jnp.clip(y2 - y1, 0.0)
    sc_w0 = jnp.where(sc > _SCORE_THR, sc, -1.0)
    iota = lax.broadcasted_iota(jnp.int32, (_B, _PRE_TOPK), 1)
    iota_o = lax.broadcasted_iota(jnp.int32, (_B, 128), 1)
    zf = jnp.zeros((_B, 128), jnp.float32)

    def body(i, carry):
        sc_w, cnt, a1o, a2o, a3o, a4o, aso, aco = carry
        m = jnp.max(sc_w, axis=1, keepdims=True)
        eq = sc_w == m
        j = jnp.min(jnp.where(eq, iota, _PRE_TOPK), axis=1, keepdims=True)
        oh = iota == j
        bx1 = jnp.sum(jnp.where(oh, x1, 0.0), axis=1, keepdims=True)
        by1 = jnp.sum(jnp.where(oh, y1, 0.0), axis=1, keepdims=True)
        bx2 = jnp.sum(jnp.where(oh, x2, 0.0), axis=1, keepdims=True)
        by2 = jnp.sum(jnp.where(oh, y2, 0.0), axis=1, keepdims=True)
        bcf = jnp.sum(jnp.where(oh, clsf, 0.0), axis=1, keepdims=True)
        keep = m > _SCORE_THR
        ohw = (iota_o == i) & keep
        a1o = jnp.where(ohw, bx1, a1o)
        a2o = jnp.where(ohw, by1, a2o)
        a3o = jnp.where(ohw, bx2, a3o)
        a4o = jnp.where(ohw, by2, a4o)
        aso = jnp.where(ohw, m, aso)
        aco = jnp.where(ohw, bcf, aco)
        cnt = cnt + keep.astype(jnp.int32)
        ix1 = jnp.maximum(bx1, x1)
        iy1 = jnp.maximum(by1, y1)
        ix2 = jnp.minimum(bx2, x2)
        iy2 = jnp.minimum(by2, y2)
        inter = jnp.clip(ix2 - ix1, 0.0) * jnp.clip(iy2 - iy1, 0.0)
        a1 = jnp.clip(bx2 - bx1, 0.0) * jnp.clip(by2 - by1, 0.0)
        iou = inter / (a1 + area - inter + 1e-9)
        supp = (iou > _IOU_THR) & (clsf == bcf)
        sc_w = jnp.where(supp | oh, -1.0, sc_w)
        return sc_w, cnt, a1o, a2o, a3o, a4o, aso, aco

    init = (sc_w0, jnp.zeros((_B, 1), jnp.int32), zf, zf, zf, zf, zf,
            zf - 1.0)
    _, cnt, a1o, a2o, a3o, a4o, aso, aco = lax.fori_loop(
        0, _MAX_DET, body, init)
    nd_ref[...] = cnt
    db_ref[...] = jnp.concatenate(
        [a1o[:, None, :], a2o[:, None, :], a3o[:, None, :], a4o[:, None, :]],
        axis=1)
    ds_ref[...] = aso
    dc_ref[...] = aco.astype(jnp.int32)


def _k3_call(sc512, cls512, bx):
    return pl.pallas_call(
        _k3_body,
        out_shape=[
            jax.ShapeDtypeStruct((_B, 1), jnp.int32),
            jax.ShapeDtypeStruct((_B, 4, 128), jnp.float32),
            jax.ShapeDtypeStruct((_B, 128), jnp.float32),
            jax.ShapeDtypeStruct((_B, 128), jnp.int32),
        ],
    )(sc512, cls512, bx)


def kernel(x):
    maxsc, cls8, tau, bound = _k1_call(x)
    sc512, cls512, bx = _k2_call(
        maxsc.reshape(_B, _N), cls8.reshape(_B, _N), x,
        tau.reshape(_B, 16), bound.reshape(_B, 16))
    nd, db, ds, dc = _k3_call(sc512, cls512, bx)
    det_boxes = jnp.transpose(db[:, :, :_MAX_DET], (0, 2, 1))
    det_scores = ds[:, :_MAX_DET]
    det_classes = dc[:, :_MAX_DET]
    return (nd, det_boxes, det_scores, det_classes)

# --- scband reference (transcript-rebuilt; emitter-appended) ---
"""Pipeline reference for scband-yolowith-nms-15857019257167 (READ-ONLY COPY).

The authoritative reference and input builder live on the scoring server;
editing this copy changes nothing except your own understanding.
"""

import jax, jax.numpy as jnp
import numpy as np

B = 8
C = 80
N = 20000
MAX_DET = 100
PRE_TOPK = 512
IOU_THR = 0.5
SCORE_THR = 0.25


def setup_inputs(seed: int = 0) -> dict:
    key = jax.random.key(seed)
    x = jax.random.uniform(key, (B, 4 + C, N), dtype=jnp.float32)
    return {"x": x}


def _corners(b):
    cx, cy, w, h = b[..., 0], b[..., 1], b[..., 2], b[..., 3]
    return jnp.stack([cx - w / 2, cy - h / 2, cx + w / 2, cy + h / 2], axis=-1)


def _iou_one_vs_all(box, boxes):
    x1 = jnp.maximum(box[0], boxes[:, 0])
    y1 = jnp.maximum(box[1], boxes[:, 1])
    x2 = jnp.minimum(box[2], boxes[:, 2])
    y2 = jnp.minimum(box[3], boxes[:, 3])
    inter = jnp.clip(x2 - x1, 0.0) * jnp.clip(y2 - y1, 0.0)
    a1 = jnp.clip(box[2] - box[0], 0.0) * jnp.clip(box[3] - box[1], 0.0)
    a2 = jnp.clip(boxes[:, 2] - boxes[:, 0], 0.0) * jnp.clip(boxes[:, 3] - boxes[:, 1], 0.0)
    return inter / (a1 + a2 - inter + 1e-9)


def _nms_one(boxes_c, scores):
    # boxes_c: [N,4] in (cx,cy,w,h) coding (box_coding=1); scores: [N,C] probabilities
    corners = _corners(boxes_c)
    max_sc = jnp.max(scores, axis=-1)
    cls = jnp.argmax(scores, axis=-1).astype(jnp.int32)
    # pre-NMS top-k candidate selection (as EfficientNMS does internally)
    top_sc, top_idx = jax.lax.top_k(max_sc, PRE_TOPK)
    b = corners[top_idx]
    c = cls[top_idx]
    sc_w = jnp.where(top_sc > SCORE_THR, top_sc, -1.0)
    out_b = jnp.zeros((MAX_DET, 4), dtype=jnp.float32)
    out_s = jnp.zeros((MAX_DET,), dtype=jnp.float32)
    out_c = -jnp.ones((MAX_DET,), dtype=jnp.int32)
    count = jnp.zeros((), dtype=jnp.int32)

    def body(i, carry):
        sc_w, out_b, out_s, out_c, count = carry
        j = jnp.argmax(sc_w)
        best = sc_w[j]
        keep = best > SCORE_THR
        out_b = out_b.at[i].set(jnp.where(keep, b[j], jnp.zeros((4,), dtype=jnp.float32)))
        out_s = out_s.at[i].set(jnp.where(keep, best, 0.0))
        out_c = out_c.at[i].set(jnp.where(keep, c[j], -1))
        count = count + keep.astype(jnp.int32)
        ious = _iou_one_vs_all(b[j], b)
        # class-aware suppression (class_agnostic=0)
        suppress = (ious > IOU_THR) & (c == c[j])
        sc_w = jnp.where(suppress, -1.0, sc_w)
        sc_w = sc_w.at[j].set(-1.0)
        return (sc_w, out_b, out_s, out_c, count)

    carry = (sc_w, out_b, out_s, out_c, count)
    _, out_b, out_s, out_c, count = jax.lax.fori_loop(0, MAX_DET, body, carry)
    return count, out_b, out_s, out_c


def reference(x):
    # model is nn.Identity(): out == x, shape [B, 4+C, N]
    boxes = jnp.transpose(x[:, :4, :], (0, 2, 1))   # [B, N, 4]
    scores = jnp.transpose(x[:, 4:, :], (0, 2, 1))  # [B, N, C]
    counts, det_boxes, det_scores, det_classes = jax.vmap(_nms_one)(boxes, scores)
    num_detections = counts[:, None].astype(jnp.int32)  # [B, 1]
    return (num_detections, det_boxes, det_scores, det_classes)

if __name__ == "__main__":
    import jax
    _d = setup_inputs()
    print(jax.jit(kernel)(*tuple(_d.values())))

</pallas_src>

<mosaic_0001>
#map = affine_map<(d0, d1) -> (0, 0)>
#map1 = affine_map<(d0, d1) -> (0, 0, 0)>
module attributes {stable_mosaic.version = 14 : i64} {
  func.func @_k2_body(%arg0: i32, %arg1: i32, %arg2: memref<8x20000xf32, #tpu.memory_space<hbm>>, %arg3: memref<8x20000xi32, #tpu.memory_space<hbm>>, %arg4: memref<8x84x20000xf32, #tpu.memory_space<hbm>>, %arg5: memref<8x16xf32, #tpu.memory_space<hbm>>, %arg6: memref<8x16xi32, #tpu.memory_space<hbm>>, %arg7: memref<8x512xf32, #tpu.memory_space<hbm>>, %arg8: memref<8x512xi32, #tpu.memory_space<hbm>>, %arg9: memref<8x4x512xf32, #tpu.memory_space<hbm>>, %arg10: memref<20000xf32, #tpu.memory_space<vmem>>, %arg11: memref<20000xi32, #tpu.memory_space<vmem>>, %arg12: memref<20000xf32, #tpu.memory_space<vmem>>, %arg13: memref<20000xf32, #tpu.memory_space<vmem>>, %arg14: memref<20000xf32, #tpu.memory_space<vmem>>, %arg15: memref<20000xf32, #tpu.memory_space<vmem>>, %arg16: memref<16xf32, #tpu.memory_space<vmem>>, %arg17: memref<16xi32, #tpu.memory_space<vmem>>, %arg18: memref<512xi32, #tpu.memory_space<vmem>>, %arg19: memref<512xf32, #tpu.memory_space<vmem>>, %arg20: memref<512xi32, #tpu.memory_space<vmem>>, %arg21: memref<512xf32, #tpu.memory_space<vmem>>, %arg22: memref<512xf32, #tpu.memory_space<vmem>>, %arg23: memref<512xf32, #tpu.memory_space<vmem>>, %arg24: memref<512xf32, #tpu.memory_space<vmem>>) attributes {dimension_semantics = [#tpu.dimension_semantics<core_parallel>, #tpu.dimension_semantics<subcore_parallel>], iteration_bounds = array<i64: 2, 16>, scalar_prefetch = 0 : i64, scratch_operands = 15 : i64, tpu.core_type = #tpu.core_type<sc_vector_subcore>, window_params = [{transform_indices = #map}, {transform_indices = #map}, {transform_indices = #map1}, {transform_indices = #map}, {transform_indices = #map}, {transform_indices = #map}, {transform_indices = #map}, {transform_indices = #map1}]} {
    %mul3A = arith.constant 2 : i32
    %mul3A_0 = arith.muli %arg1, %mul3A : i32
    %add3A = arith.addi %mul3A_0, %arg0 : i32
    %lt3A = arith.constant 8 : i32
    %lt3A_1 = arith.cmpi slt, %add3A, %lt3A : i32
    %convert_element_type3A = arith.extui %lt3A_1 : i1 to i32
    %cond3A = arith.constant 0 : i32
    %cond3A_2 = arith.cmpi ne, %convert_element_type3A, %cond3A : i32
    scf.if %cond3A_2 {
      "tpu.region"() ({
        %run_scoped3A_80 = tpu.sem_alloc : memref<!tpu.dma_semaphore, #tpu.memory_space<semaphore_mem>>
        %dma_start3A = arith.constant 0 : i32
        %dma_start3A_81 = tpu.memref_slice %arg2[%add3A, %dma_start3A] : memref<8x20000xf32, #tpu.memory_space<hbm>> -> memref<1x20000xf32, #tpu.memory_space<hbm>>
        %dma_start3A_82 = tpu.memref_squeeze %dma_start3A_81 : memref<1x20000xf32, #tpu.memory_space<hbm>> -> memref<20000xf32, #tpu.memory_space<hbm>>
        %dma_start3A_83 = arith.constant 0 : i32
        %dma_start3A_84 = tpu.memref_slice %arg2[%add3A, %dma_start3A_83] : memref<8x20000xf32, #tpu.memory_space<hbm>> -> memref<1x20000xf32, #tpu.memory_space<hbm>>
        %dma_start3A_85 = tpu.memref_squeeze %dma_start3A_84 : memref<1x20000xf32, #tpu.memory_space<hbm>> -> memref<20000xf32, #tpu.memory_space<hbm>>
        tpu.enqueue_dma source(%dma_start3A_85 : memref<20000xf32, #tpu.memory_space<hbm>>) target(%arg10 : memref<20000xf32, #tpu.memory_space<vmem>>) target_semaphore(%run_scoped3A_80 : memref<!tpu.dma_semaphore, #tpu.memory_space<semaphore_mem>>)
        %dma_wait3A = arith.constant 0 : i32
        %dma_wait3A_86 = tpu.memref_slice %arg2[%add3A, %dma_wait3A] : memref<8x20000xf32, #tpu.memory_space<hbm>> -> memref<1x20000xf32, #tpu.memory_space<hbm>>
        %dma_wait3A_87 = tpu.memref_squeeze %dma_wait3A_86 : memref<1x20000xf32, #tpu.memory_space<hbm>> -> memref<20000xf32, #tpu.memory_space<hbm>>
        %dma_wait3A_88 = arith.constant 0 : i32
        %dma_wait3A_89 = tpu.memref_slice %arg2[%add3A, %dma_wait3A_88] : memref<8x20000xf32, #tpu.memory_space<hbm>> -> memref<1x20000xf32, #tpu.memory_space<hbm>>
        %dma_wait3A_90 = tpu.memref_squeeze %dma_wait3A_89 : memref<1x20000xf32, #tpu.memory_space<hbm>> -> memref<20000xf32, #tpu.memory_space<hbm>>
        tpu.wait_dma2 semaphore(%run_scoped3A_80 : memref<!tpu.dma_semaphore, #tpu.memory_space<semaphore_mem>>) src(%dma_wait3A_90 : memref<20000xf32, #tpu.memory_space<hbm>>) dst(%arg10 : memref<20000xf32, #tpu.memory_space<vmem>>)
        tpu.yield
      }) : () -> ()
      "tpu.region"() ({
        %run_scoped3A_80 = tpu.sem_alloc : memref<!tpu.dma_semaphore, #tpu.memory_space<semaphore_mem>>
        %dma_start3A = arith.constant 0 : i32
        %dma_start3A_81 = tpu.memref_slice %arg3[%add3A, %dma_start3A] : memref<8x20000xi32, #tpu.memory_space<hbm>> -> memref<1x20000xi32, #tpu.memory_space<hbm>>
        %dma_start3A_82 = tpu.memref_squeeze %dma_start3A_81 : memref<1x20000xi32, #tpu.memory_space<hbm>> -> memref<20000xi32, #tpu.memory_space<hbm>>
        %dma_start3A_83 = arith.constant 0 : i32
        %dma_start3A_84 = tpu.memref_slice %arg3[%add3A, %dma_start3A_83] : memref<8x20000xi32, #tpu.memory_space<hbm>> -> memref<1x20000xi32, #tpu.memory_space<hbm>>
        %dma_start3A_85 = tpu.memref_squeeze %dma_start3A_84 : memref<1x20000xi32, #tpu.memory_space<hbm>> -> memref<20000xi32, #tpu.memory_space<hbm>>
        tpu.enqueue_dma source(%dma_start3A_85 : memref<20000xi32, #tpu.memory_space<hbm>>) target(%arg11 : memref<20000xi32, #tpu.memory_space<vmem>>) target_semaphore(%run_scoped3A_80 : memref<!tpu.dma_semaphore, #tpu.memory_space<semaphore_mem>>)
        %dma_wait3A = arith.constant 0 : i32
        %dma_wait3A_86 = tpu.memref_slice %arg3[%add3A, %dma_wait3A] : memref<8x20000xi32, #tpu.memory_space<hbm>> -> memref<1x20000xi32, #tpu.memory_space<hbm>>
        %dma_wait3A_87 = tpu.memref_squeeze %dma_wait3A_86 : memref<1x20000xi32, #tpu.memory_space<hbm>> -> memref<20000xi32, #tpu.memory_space<hbm>>
        %dma_wait3A_88 = arith.constant 0 : i32
        %dma_wait3A_89 = tpu.memref_slice %arg3[%add3A, %dma_wait3A_88] : memref<8x20000xi32, #tpu.memory_space<hbm>> -> memref<1x20000xi32, #tpu.memory_space<hbm>>
        %dma_wait3A_90 = tpu.memref_squeeze %dma_wait3A_89 : memref<1x20000xi32, #tpu.memory_space<hbm>> -> memref<20000xi32, #tpu.memory_space<hbm>>
        tpu.wait_dma2 semaphore(%run_scoped3A_80 : memref<!tpu.dma_semaphore, #tpu.memory_space<semaphore_mem>>) src(%dma_wait3A_90 : memref<20000xi32, #tpu.memory_space<hbm>>) dst(%arg11 : memref<20000xi32, #tpu.memory_space<vmem>>)
        tpu.yield
      }) : () -> ()
      %run_scoped3A = arith.constant 0 : i32
      "tpu.region"() ({
        %run_scoped3A_80 = tpu.sem_alloc : memref<!tpu.dma_semaphore, #tpu.memory_space<semaphore_mem>>
        %dma_start3A = arith.constant 0 : i32
        %dma_start3A_81 = tpu.memref_slice %arg4[%add3A, %run_scoped3A, %dma_start3A] : memref<8x84x20000xf32, #tpu.memory_space<hbm>> -> memref<1x1x20000xf32, #tpu.memory_space<hbm>>
        %dma_start3A_82 = tpu.memref_squeeze %dma_start3A_81 : memref<1x1x20000xf32, #tpu.memory_space<hbm>> -> memref<20000xf32, #tpu.memory_space<hbm>>
        %dma_start3A_83 = arith.constant 0 : i32
        %dma_start3A_84 = tpu.memref_slice %arg4[%add3A, %run_scoped3A, %dma_start3A_83] : memref<8x84x20000xf32, #tpu.memory_space<hbm>> -> memref<1x1x20000xf32, #tpu.memory_space<hbm>>
        %dma_start3A_85 = tpu.memref_squeeze %dma_start3A_84 : memref<1x1x20000xf32, #tpu.memory_space<hbm>> -> memref<20000xf32, #tpu.memory_space<hbm>>
        tpu.enqueue_dma source(%dma_start3A_85 : memref<20000xf32, #tpu.memory_space<hbm>>) target(%arg12 : memref<20000xf32, #tpu.memory_space<vmem>>) target_semaphore(%run_scoped3A_80 : memref<!tpu.dma_semaphore, #tpu.memory_space<semaphore_mem>>)
        %dma_wait3A = arith.constant 0 : i32
        %dma_wait3A_86 = tpu.memref_slice %arg4[%add3A, %run_scoped3A, %dma_wait3A] : memref<8x84x20000xf32, #tpu.memory_space<hbm>> -> memref<1x1x20000xf32, #tpu.memory_space<hbm>>
        %dma_wait3A_87 = tpu.memref_squeeze %dma_wait3A_86 : memref<1x1x20000xf32, #tpu.memory_space<hbm>> -> memref<20000xf32, #tpu.memory_space<hbm>>
        %dma_wait3A_88 = arith.constant 0 : i32
        %dma_wait3A_89 = tpu.memref_slice %arg4[%add3A, %run_scoped3A, %dma_wait3A_88] : memref<8x84x20000xf32, #tpu.memory_space<hbm>> -> memref<1x1x20000xf32, #tpu.memory_space<hbm>>
        %dma_wait3A_90 = tpu.memref_squeeze %dma_wait3A_89 : memref<1x1x20000xf32, #tpu.memory_space<hbm>> -> memref<20000xf32, #tpu.memory_space<hbm>>
        tpu.wait_dma2 semaphore(%run_scoped3A_80 : memref<!tpu.dma_semaphore, #tpu.memory_space<semaphore_mem>>) src(%dma_wait3A_90 : memref<20000xf32, #tpu.memory_space<hbm>>) dst(%arg12 : memref<20000xf32, #tpu.memory_space<vmem>>)
        tpu.yield
      }) : () -> ()
      %run_scoped3A_3 = arith.constant 1 : i32
      "tpu.region"() ({
        %run_scoped3A_80 = tpu.sem_alloc : memref<!tpu.dma_semaphore, #tpu.memory_space<semaphore_mem>>
        %dma_start3A = arith.constant 0 : i32
        %dma_start3A_81 = tpu.memref_slice %arg4[%add3A, %run_scoped3A_3, %dma_start3A] : memref<8x84x20000xf32, #tpu.memory_space<hbm>> -> memref<1x1x20000xf32, #tpu.memory_space<hbm>>
        %dma_start3A_82 = tpu.memref_squeeze %dma_start3A_81 : memref<1x1x20000xf32, #tpu.memory_space<hbm>> -> memref<20000xf32, #tpu.memory_space<hbm>>
        %dma_start3A_83 = arith.constant 0 : i32
        %dma_start3A_84 = tpu.memref_slice %arg4[%add3A, %run_scoped3A_3, %dma_start3A_83] : memref<8x84x20000xf32, #tpu.memory_space<hbm>> -> memref<1x1x20000xf32, #tpu.memory_space<hbm>>
        %dma_start3A_85 = tpu.memref_squeeze %dma_start3A_84 : memref<1x1x20000xf32, #tpu.memory_space<hbm>> -> memref<20000xf32, #tpu.memory_space<hbm>>
        tpu.enqueue_dma source(%dma_start3A_85 : memref<20000xf32, #tpu.memory_space<hbm>>) target(%arg13 : memref<20000xf32, #tpu.memory_space<vmem>>) target_semaphore(%run_scoped3A_80 : memref<!tpu.dma_semaphore, #tpu.memory_space<semaphore_mem>>)
        %dma_wait3A = arith.constant 0 : i32
        %dma_wait3A_86 = tpu.memref_slice %arg4[%add3A, %run_scoped3A_3, %dma_wait3A] : memref<8x84x20000xf32, #tpu.memory_space<hbm>> -> memref<1x1x20000xf32, #tpu.memory_space<hbm>>
        %dma_wait3A_87 = tpu.memref_squeeze %dma_wait3A_86 : memref<1x1x20000xf32, #tpu.memory_space<hbm>> -> memref<20000xf32, #tpu.memory_space<hbm>>
        %dma_wait3A_88 = arith.constant 0 : i32
        %dma_wait3A_89 = tpu.memref_slice %arg4[%add3A, %run_scoped3A_3, %dma_wait3A_88] : memref<8x84x20000xf32, #tpu.memory_space<hbm>> -> memref<1x1x20000xf32, #tpu.memory_space<hbm>>
        %dma_wait3A_90 = tpu.memref_squeeze %dma_wait3A_89 : memref<1x1x20000xf32, #tpu.memory_space<hbm>> -> memref<20000xf32, #tpu.memory_space<hbm>>
        tpu.wait_dma2 semaphore(%run_scoped3A_80 : memref<!tpu.dma_semaphore, #tpu.memory_space<semaphore_mem>>) src(%dma_wait3A_90 : memref<20000xf32, #tpu.memory_space<hbm>>) dst(%arg13 : memref<20000xf32, #tpu.memory_space<vmem>>)
        tpu.yield
      }) : () -> ()
      %run_scoped3A_4 = arith.constant 2 : i32
      "tpu.region"() ({
        %run_scoped3A_80 = tpu.sem_alloc : memref<!tpu.dma_semaphore, #tpu.memory_space<semaphore_mem>>
        %dma_start3A = arith.constant 0 : i32
        %dma_start3A_81 = tpu.memref_slice %arg4[%add3A, %run_scoped3A_4, %dma_start3A] : memref<8x84x20000xf32, #tpu.memory_space<hbm>> -> memref<1x1x20000xf32, #tpu.memory_space<hbm>>
        %dma_start3A_82 = tpu.memref_squeeze %dma_start3A_81 : memref<1x1x20000xf32, #tpu.memory_space<hbm>> -> memref<20000xf32, #tpu.memory_space<hbm>>
        %dma_start3A_83 = arith.constant 0 : i32
        %dma_start3A_84 = tpu.memref_slice %arg4[%add3A, %run_scoped3A_4, %dma_start3A_83] : memref<8x84x20000xf32, #tpu.memory_space<hbm>> -> memref<1x1x20000xf32, #tpu.memory_space<hbm>>
        %dma_start3A_85 = tpu.memref_squeeze %dma_start3A_84 : memref<1x1x20000xf32, #tpu.memory_space<hbm>> -> memref<20000xf32, #tpu.memory_space<hbm>>
        tpu.enqueue_dma source(%dma_start3A_85 : memref<20000xf32, #tpu.memory_space<hbm>>) target(%arg14 : memref<20000xf32, #tpu.memory_space<vmem>>) target_semaphore(%run_scoped3A_80 : memref<!tpu.dma_semaphore, #tpu.memory_space<semaphore_mem>>)
        %dma_wait3A = arith.constant 0 : i32
        %dma_wait3A_86 = tpu.memref_slice %arg4[%add3A, %run_scoped3A_4, %dma_wait3A] : memref<8x84x20000xf32, #tpu.memory_space<hbm>> -> memref<1x1x20000xf32, #tpu.memory_space<hbm>>
        %dma_wait3A_87 = tpu.memref_squeeze %dma_wait3A_86 : memref<1x1x20000xf32, #tpu.memory_space<hbm>> -> memref<20000xf32, #tpu.memory_space<hbm>>
        %dma_wait3A_88 = arith.constant 0 : i32
        %dma_wait3A_89 = tpu.memref_slice %arg4[%add3A, %run_scoped3A_4, %dma_wait3A_88] : memref<8x84x20000xf32, #tpu.memory_space<hbm>> -> memref<1x1x20000xf32, #tpu.memory_space<hbm>>
        %dma_wait3A_90 = tpu.memref_squeeze %dma_wait3A_89 : memref<1x1x20000xf32, #tpu.memory_space<hbm>> -> memref<20000xf32, #tpu.memory_space<hbm>>
        tpu.wait_dma2 semaphore(%run_scoped3A_80 : memref<!tpu.dma_semaphore, #tpu.memory_space<semaphore_mem>>) src(%dma_wait3A_90 : memref<20000xf32, #tpu.memory_space<hbm>>) dst(%arg14 : memref<20000xf32, #tpu.memory_space<vmem>>)
        tpu.yield
      }) : () -> ()
      %run_scoped3A_5 = arith.constant 3 : i32
      "tpu.region"() ({
        %run_scoped3A_80 = tpu.sem_alloc : memref<!tpu.dma_semaphore, #tpu.memory_space<semaphore_mem>>
        %dma_start3A = arith.constant 0 : i32
        %dma_start3A_81 = tpu.memref_slice %arg4[%add3A, %run_scoped3A_5, %dma_start3A] : memref<8x84x20000xf32, #tpu.memory_space<hbm>> -> memref<1x1x20000xf32, #tpu.memory_space<hbm>>
        %dma_start3A_82 = tpu.memref_squeeze %dma_start3A_81 : memref<1x1x20000xf32, #tpu.memory_space<hbm>> -> memref<20000xf32, #tpu.memory_space<hbm>>
        %dma_start3A_83 = arith.constant 0 : i32
        %dma_start3A_84 = tpu.memref_slice %arg4[%add3A, %run_scoped3A_5, %dma_start3A_83] : memref<8x84x20000xf32, #tpu.memory_space<hbm>> -> memref<1x1x20000xf32, #tpu.memory_space<hbm>>
        %dma_start3A_85 = tpu.memref_squeeze %dma_start3A_84 : memref<1x1x20000xf32, #tpu.memory_space<hbm>> -> memref<20000xf32, #tpu.memory_space<hbm>>
        tpu.enqueue_dma source(%dma_start3A_85 : memref<20000xf32, #tpu.memory_space<hbm>>) target(%arg15 : memref<20000xf32, #tpu.memory_space<vmem>>) target_semaphore(%run_scoped3A_80 : memref<!tpu.dma_semaphore, #tpu.memory_space<semaphore_mem>>)
        %dma_wait3A = arith.constant 0 : i32
        %dma_wait3A_86 = tpu.memref_slice %arg4[%add3A, %run_scoped3A_5, %dma_wait3A] : memref<8x84x20000xf32, #tpu.memory_space<hbm>> -> memref<1x1x20000xf32, #tpu.memory_space<hbm>>
        %dma_wait3A_87 = tpu.memref_squeeze %dma_wait3A_86 : memref<1x1x20000xf32, #tpu.memory_space<hbm>> -> memref<20000xf32, #tpu.memory_space<hbm>>
        %dma_wait3A_88 = arith.constant 0 : i32
        %dma_wait3A_89 = tpu.memref_slice %arg4[%add3A, %run_scoped3A_5, %dma_wait3A_88] : memref<8x84x20000xf32, #tpu.memory_space<hbm>> -> memref<1x1x20000xf32, #tpu.memory_space<hbm>>
        %dma_wait3A_90 = tpu.memref_squeeze %dma_wait3A_89 : memref<1x1x20000xf32, #tpu.memory_space<hbm>> -> memref<20000xf32, #tpu.memory_space<hbm>>
        tpu.wait_dma2 semaphore(%run_scoped3A_80 : memref<!tpu.dma_semaphore, #tpu.memory_space<semaphore_mem>>) src(%dma_wait3A_90 : memref<20000xf32, #tpu.memory_space<hbm>>) dst(%arg15 : memref<20000xf32, #tpu.memory_space<vmem>>)
        tpu.yield
      }) : () -> ()
      "tpu.region"() ({
        %run_scoped3A_80 = tpu.sem_alloc : memref<!tpu.dma_semaphore, #tpu.memory_space<semaphore_mem>>
        %dma_start3A = arith.constant 0 : i32
        %dma_start3A_81 = tpu.memref_slice %arg5[%add3A, %dma_start3A] : memref<8x16xf32, #tpu.memory_space<hbm>> -> memref<1x16xf32, #tpu.memory_space<hbm>>
        %dma_start3A_82 = tpu.memref_squeeze %dma_start3A_81 : memref<1x16xf32, #tpu.memory_space<hbm>> -> memref<16xf32, #tpu.memory_space<hbm>>
        %dma_start3A_83 = arith.constant 0 : i32
        %dma_start3A_84 = tpu.memref_slice %arg5[%add3A, %dma_start3A_83] : memref<8x16xf32, #tpu.memory_space<hbm>> -> memref<1x16xf32, #tpu.memory_space<hbm>>
        %dma_start3A_85 = tpu.memref_squeeze %dma_start3A_84 : memref<1x16xf32, #tpu.memory_space<hbm>> -> memref<16xf32, #tpu.memory_space<hbm>>
        tpu.enqueue_dma source(%dma_start3A_85 : memref<16xf32, #tpu.memory_space<hbm>>) target(%arg16 : memref<16xf32, #tpu.memory_space<vmem>>) target_semaphore(%run_scoped3A_80 : memref<!tpu.dma_semaphore, #tpu.memory_space<semaphore_mem>>)
        %dma_wait3A = arith.constant 0 : i32
        %dma_wait3A_86 = tpu.memref_slice %arg5[%add3A, %dma_wait3A] : memref<8x16xf32, #tpu.memory_space<hbm>> -> memref<1x16xf32, #tpu.memory_space<hbm>>
        %dma_wait3A_87 = tpu.memref_squeeze %dma_wait3A_86 : memref<1x16xf32, #tpu.memory_space<hbm>> -> memref<16xf32, #tpu.memory_space<hbm>>
        %dma_wait3A_88 = arith.constant 0 : i32
        %dma_wait3A_89 = tpu.memref_slice %arg5[%add3A, %dma_wait3A_88] : memref<8x16xf32, #tpu.memory_space<hbm>> -> memref<1x16xf32, #tpu.memory_space<hbm>>
        %dma_wait3A_90 = tpu.memref_squeeze %dma_wait3A_89 : memref<1x16xf32, #tpu.memory_space<hbm>> -> memref<16xf32, #tpu.memory_space<hbm>>
        tpu.wait_dma2 semaphore(%run_scoped3A_80 : memref<!tpu.dma_semaphore, #tpu.memory_space<semaphore_mem>>) src(%dma_wait3A_90 : memref<16xf32, #tpu.memory_space<hbm>>) dst(%arg16 : memref<16xf32, #tpu.memory_space<vmem>>)
        tpu.yield
      }) : () -> ()
      "tpu.region"() ({
        %run_scoped3A_80 = tpu.sem_alloc : memref<!tpu.dma_semaphore, #tpu.memory_space<semaphore_mem>>
        %dma_start3A = arith.constant 0 : i32
        %dma_start3A_81 = tpu.memref_slice %arg6[%add3A, %dma_start3A] : memref<8x16xi32, #tpu.memory_space<hbm>> -> memref<1x16xi32, #tpu.memory_space<hbm>>
        %dma_start3A_82 = tpu.memref_squeeze %dma_start3A_81 : memref<1x16xi32, #tpu.memory_space<hbm>> -> memref<16xi32, #tpu.memory_space<hbm>>
        %dma_start3A_83 = arith.constant 0 : i32
        %dma_start3A_84 = tpu.memref_slice %arg6[%add3A, %dma_start3A_83] : memref<8x16xi32, #tpu.memory_space<hbm>> -> memref<1x16xi32, #tpu.memory_space<hbm>>
        %dma_start3A_85 = tpu.memref_squeeze %dma_start3A_84 : memref<1x16xi32, #tpu.memory_space<hbm>> -> memref<16xi32, #tpu.memory_space<hbm>>
        tpu.enqueue_dma source(%dma_start3A_85 : memref<16xi32, #tpu.memory_space<hbm>>) target(%arg17 : memref<16xi32, #tpu.memory_space<vmem>>) target_semaphore(%run_scoped3A_80 : memref<!tpu.dma_semaphore, #tpu.memory_space<semaphore_mem>>)
        %dma_wait3A = arith.constant 0 : i32
        %dma_wait3A_86 = tpu.memref_slice %arg6[%add3A, %dma_wait3A] : memref<8x16xi32, #tpu.memory_space<hbm>> -> memref<1x16xi32, #tpu.memory_space<hbm>>
        %dma_wait3A_87 = tpu.memref_squeeze %dma_wait3A_86 : memref<1x16xi32, #tpu.memory_space<hbm>> -> memref<16xi32, #tpu.memory_space<hbm>>
        %dma_wait3A_88 = arith.constant 0 : i32
        %dma_wait3A_89 = tpu.memref_slice %arg6[%add3A, %dma_wait3A_88] : memref<8x16xi32, #tpu.memory_space<hbm>> -> memref<1x16xi32, #tpu.memory_space<hbm>>
        %dma_wait3A_90 = tpu.memref_squeeze %dma_wait3A_89 : memref<1x16xi32, #tpu.memory_space<hbm>> -> memref<16xi32, #tpu.memory_space<hbm>>
        tpu.wait_dma2 semaphore(%run_scoped3A_80 : memref<!tpu.dma_semaphore, #tpu.memory_space<semaphore_mem>>) src(%dma_wait3A_90 : memref<16xi32, #tpu.memory_space<hbm>>) dst(%arg17 : memref<16xi32, #tpu.memory_space<vmem>>)
        tpu.yield
      }) : () -> ()
      %get3A = arith.constant 0 : index
      %get3A_6 = tpu.vector_load %arg16[%get3A] {strides = array<i32>} : memref<16xf32, #tpu.memory_space<vmem>>, vector<16xf32>,
      %get3A_7 = arith.constant 0 : index
      %get3A_8 = tpu.vector_load %arg17[%get3A_7] {strides = array<i32>} : memref<16xi32, #tpu.memory_space<vmem>>, vector<16xi32>,
      %convert_element_type3A_9 = arith.sitofp %get3A_8 : vector<16xi32> to vector<16xf32>
      %iota3A = tpu.iota {dimensions = array<i32: 0>} : vector<16xi32>
      %broadcast_in_dim3A = arith.constant 0 : i32
      %broadcast_in_dim3A_10 = vector.broadcast %broadcast_in_dim3A : i32 to vector<16xi32>
      %scan3A = arith.constant 0 : i32
      %scan3A_11 = arith.constant 1248 : i32
      %scan3A_12 = arith.addi %scan3A, %scan3A_11 : i32
      %scan3A_13 = arith.constant 4 : i32
      %scan3A_14 = scf.for %scan3A_80 = %scan3A to %scan3A_12 step %scan3A_13 iter_args(%scan3A_81 = %broadcast_in_dim3A_10) -> (vector<16xi32>)  : i32 {
        %mul3A_82 = arith.constant 16 : i32
        %mul3A_83 = arith.muli %scan3A_80, %mul3A_82 : i32
        %get3A_84 = arith.index_cast %mul3A_83 : i32 to index
        %get3A_85 = tpu.vector_load %arg10[%get3A_84] {strides = array<i32>} : memref<20000xf32, #tpu.memory_space<vmem>>, vector<16xf32>,
        %mul3A_86 = arith.constant 16 : i32
        %mul3A_87 = arith.muli %scan3A_80, %mul3A_86 : i32
        %get3A_88 = arith.index_cast %mul3A_87 : i32 to index
        %get3A_89 = tpu.vector_load %arg11[%get3A_88] {strides = array<i32>} : memref<20000xi32, #tpu.memory_space<vmem>>, vector<16xi32>,
        %mul3A_90 = arith.constant 16 : i32
        %mul3A_91 = arith.muli %scan3A_80, %mul3A_90 : i32
        %add3A_92 = vector.broadcast %mul3A_91 : i32 to vector<16xi32>
        %add3A_93 = arith.addi %iota3A, %add3A_92 : vector<16xi32>
        %convert_element_type3A_94 = arith.sitofp %add3A_93 : vector<16xi32> to vector<16xf32>
        %gt3A_95 = arith.cmpf ogt, %get3A_85, %get3A_6 : vector<16xf32>
        %eq3A_96 = arith.cmpf oeq, %get3A_85, %get3A_6 : vector<16xf32>
        %lt3A_97 = arith.cmpf olt, %convert_element_type3A_94, %convert_element_type3A_9 : vector<16xf32>
        %and3A_98 = arith.andi %eq3A_96, %lt3A_97 : vector<16xi1>
        %or3A_99 = arith.ori %gt3A_95, %and3A_98 : vector<16xi1>
        %convert_element_type3A_100 = arith.extui %or3A_99 : vector<16xi1> to vector<16xi32>
        %broadcast_in_dim3A_101 = arith.constant true
        %broadcast_in_dim3A_102 = vector.broadcast %broadcast_in_dim3A_101 : i1 to vector<16xi1>
        %masked_cumsum3A_103 = tpu.scan <sum>, %convert_element_type3A_100 masked %broadcast_in_dim3A_102 : vector<16xi32>, vector<16xi1> -> vector<16xi32>
        %sub3A_104 = arith.constant 1 : i32
        %sub3A_105 = vector.broadcast %sub3A_104 : i32 to vector<16xi32>
        %sub3A_106 = arith.subi %scan3A_81, %sub3A_105 : vector<16xi32>
        %add3A_107 = arith.addi %masked_cumsum3A_103, %sub3A_106 : vector<16xi32>
        tpu.vector_store_idx %arg18[%add3A_107], %add3A_93 masked %or3A_99 : memref<512xi32, #tpu.memory_space<vmem>>[vector<16xi32>], vector<16xi32>, vector<16xi1>
        tpu.vector_store_idx %arg19[%add3A_107], %get3A_85 masked %or3A_99 : memref<512xf32, #tpu.memory_space<vmem>>[vector<16xi32>], vector<16xf32>, vector<16xi1>
        tpu.vector_store_idx %arg20[%add3A_107], %get3A_89 masked %or3A_99 : memref<512xi32, #tpu.memory_space<vmem>>[vector<16xi32>], vector<16xi32>, vector<16xi1>
        %all_reduce_population_count3A_108 = tpu.all_reduce %or3A_99 {dim = 0 : i64, kind = #tpu.reduction_kind<sum>} : vector<16xi1> -> vector<16xi32>
        %add3A_109 = arith.addi %scan3A_81, %all_reduce_population_count3A_108 : vector<16xi32>
        %scan3A_110 = arith.constant 1 : i32
        %scan3A_111 = arith.addi %scan3A_80, %scan3A_110 : i32
        %mul3A_112 = arith.constant 16 : i32
        %mul3A_113 = arith.muli %scan3A_111, %mul3A_112 : i32
        %get3A_114 = arith.index_cast %mul3A_113 : i32 to index
        %get3A_115 = tpu.vector_load %arg10[%get3A_114] {strides = array<i32>} : memref<20000xf32, #tpu.memory_space<vmem>>, vector<16xf32>,
        %mul3A_116 = arith.constant 16 : i32
        %mul3A_117 = arith.muli %scan3A_111, %mul3A_116 : i32
        %get3A_118 = arith.index_cast %mul3A_117 : i32 to index
        %get3A_119 = tpu.vector_load %arg11[%get3A_118] {strides = array<i32>} : memref<20000xi32, #tpu.memory_space<vmem>>, vector<16xi32>,
        %mul3A_120 = arith.constant 16 : i32
        %mul3A_121 = arith.muli %scan3A_111, %mul3A_120 : i32
        %add3A_122 = vector.broadcast %mul3A_121 : i32 to vector<16xi32>
        %add3A_123 = arith.addi %iota3A, %add3A_122 : vector<16xi32>
        %convert_element_type3A_124 = arith.sitofp %add3A_123 : vector<16xi32> to vector<16xf32>
        %gt3A_125 = arith.cmpf ogt, %get3A_115, %get3A_6 : vector<16xf32>
        %eq3A_126 = arith.cmpf oeq, %get3A_115, %get3A_6 : vector<16xf32>
        %lt3A_127 = arith.cmpf olt, %convert_element_type3A_124, %convert_element_type3A_9 : vector<16xf32>
        %and3A_128 = arith.andi %eq3A_126, %lt3A_127 : vector<16xi1>
        %or3A_129 = arith.ori %gt3A_125, %and3A_128 : vector<16xi1>
        %convert_element_type3A_130 = arith.extui %or3A_129 : vector<16xi1> to vector<16xi32>
        %broadcast_in_dim3A_131 = arith.constant true
        %broadcast_in_dim3A_132 = vector.broadcast %broadcast_in_dim3A_131 : i1 to vector<16xi1>
        %masked_cumsum3A_133 = tpu.scan <sum>, %convert_element_type3A_130 masked %broadcast_in_dim3A_132 : vector<16xi32>, vector<16xi1> -> vector<16xi32>
        %sub3A_134 = arith.constant 1 : i32
        %sub3A_135 = vector.broadcast %sub3A_134 : i32 to vector<16xi32>
        %sub3A_136 = arith.subi %add3A_109, %sub3A_135 : vector<16xi32>
        %add3A_137 = arith.addi %masked_cumsum3A_133, %sub3A_136 : vector<16xi32>
        tpu.vector_store_idx %arg18[%add3A_137], %add3A_123 masked %or3A_129 : memref<512xi32, #tpu.memory_space<vmem>>[vector<16xi32>], vector<16xi32>, vector<16xi1>
        tpu.vector_store_idx %arg19[%add3A_137], %get3A_115 masked %or3A_129 : memref<512xf32, #tpu.memory_space<vmem>>[vector<16xi32>], vector<16xf32>, vector<16xi1>
        tpu.vector_store_idx %arg20[%add3A_137], %get3A_119 masked %or3A_129 : memref<512xi32, #tpu.memory_space<vmem>>[vector<16xi32>], vector<16xi32>, vector<16xi1>
        %all_reduce_population_count3A_138 = tpu.all_reduce %or3A_129 {dim = 0 : i64, kind = #tpu.reduction_kind<sum>} : vector<16xi1> -> vector<16xi32>
        %add3A_139 = arith.addi %add3A_109, %all_reduce_population_count3A_138 : vector<16xi32>
        %scan3A_140 = arith.constant 2 : i32
        %scan3A_141 = arith.addi %scan3A_80, %scan3A_140 : i32
        %mul3A_142 = arith.constant 16 : i32
        %mul3A_143 = arith.muli %scan3A_141, %mul3A_142 : i32
        %get3A_144 = arith.index_cast %mul3A_143 : i32 to index
        %get3A_145 = tpu.vector_load %arg10[%get3A_144] {strides = array<i32>} : memref<20000xf32, #tpu.memory_space<vmem>>, vector<16xf32>,
        %mul3A_146 = arith.constant 16 : i32
        %mul3A_147 = arith.muli %scan3A_141, %mul3A_146 : i32
        %get3A_148 = arith.index_cast %mul3A_147 : i32 to index
        %get3A_149 = tpu.vector_load %arg11[%get3A_148] {strides = array<i32>} : memref<20000xi32, #tpu.memory_space<vmem>>, vector<16xi32>,
        %mul3A_150 = arith.constant 16 : i32
        %mul3A_151 = arith.muli %scan3A_141, %mul3A_150 : i32
        %add3A_152 = vector.broadcast %mul3A_151 : i32 to vector<16xi32>
        %add3A_153 = arith.addi %iota3A, %add3A_152 : vector<16xi32>
        %convert_element_type3A_154 = arith.sitofp %add3A_153 : vector<16xi32> to vector<16xf32>
        %gt3A_155 = arith.cmpf ogt, %get3A_145, %get3A_6 : vector<16xf32>
        %eq3A_156 = arith.cmpf oeq, %get3A_145, %get3A_6 : vector<16xf32>
        %lt3A_157 = arith.cmpf olt, %convert_element_type3A_154, %convert_element_type3A_9 : vector<16xf32>
        %and3A_158 = arith.andi %eq3A_156, %lt3A_157 : vector<16xi1>
        %or3A_159 = arith.ori %gt3A_155, %and3A_158 : vector<16xi1>
        %convert_element_type3A_160 = arith.extui %or3A_159 : vector<16xi1> to vector<16xi32>
        %broadcast_in_dim3A_161 = arith.constant true
        %broadcast_in_dim3A_162 = vector.broadcast %broadcast_in_dim3A_161 : i1 to vector<16xi1>
        %masked_cumsum3A_163 = tpu.scan <sum>, %convert_element_type3A_160 masked %broadcast_in_dim3A_162 : vector<16xi32>, vector<16xi1> -> vector<16xi32>
        %sub3A_164 = arith.constant 1 : i32
        %sub3A_165 = vector.broadcast %sub3A_164 : i32 to vector<16xi32>
        %sub3A_166 = arith.subi %add3A_139, %sub3A_165 : vector<16xi32>
        %add3A_167 = arith.addi %masked_cumsum3A_163, %sub3A_166 : vector<16xi32>
        tpu.vector_store_idx %arg18[%add3A_167], %add3A_153 masked %or3A_159 : memref<512xi32, #tpu.memory_space<vmem>>[vector<16xi32>], vector<16xi32>, vector<16xi1>
        tpu.vector_store_idx %arg19[%add3A_167], %get3A_145 masked %or3A_159 : memref<512xf32, #tpu.memory_space<vmem>>[vector<16xi32>], vector<16xf32>, vector<16xi1>
        tpu.vector_store_idx %arg20[%add3A_167], %get3A_149 masked %or3A_159 : memref<512xi32, #tpu.memory_space<vmem>>[vector<16xi32>], vector<16xi32>, vector<16xi1>
        %all_reduce_population_count3A_168 = tpu.all_reduce %or3A_159 {dim = 0 : i64, kind = #tpu.reduction_kind<sum>} : vector<16xi1> -> vector<16xi32>
        %add3A_169 = arith.addi %add3A_139, %all_reduce_population_count3A_168 : vector<16xi32>
        %scan3A_170 = arith.constant 3 : i32
        %scan3A_171 = arith.addi %scan3A_80, %scan3A_170 : i32
        %mul3A_172 = arith.constant 16 : i32
        %mul3A_173 = arith.muli %scan3A_171, %mul3A_172 : i32
        %get3A_174 = arith.index_cast %mul3A_173 : i32 to index
        %get3A_175 = tpu.vector_load %arg10[%get3A_174] {strides = array<i32>} : memref<20000xf32, #tpu.memory_space<vmem>>, vector<16xf32>,
        %mul3A_176 = arith.constant 16 : i32
        %mul3A_177 = arith.muli %scan3A_171, %mul3A_176 : i32
        %get3A_178 = arith.index_cast %mul3A_177 : i32 to index
        %get3A_179 = tpu.vector_load %arg11[%get3A_178] {strides = array<i32>} : memref<20000xi32, #tpu.memory_space<vmem>>, vector<16xi32>,
        %mul3A_180 = arith.constant 16 : i32
        %mul3A_181 = arith.muli %scan3A_171, %mul3A_180 : i32
        %add3A_182 = vector.broadcast %mul3A_181 : i32 to vector<16xi32>
        %add3A_183 = arith.addi %iota3A, %add3A_182 : vector<16xi32>
        %convert_element_type3A_184 = arith.sitofp %add3A_183 : vector<16xi32> to vector<16xf32>
        %gt3A_185 = arith.cmpf ogt, %get3A_175, %get3A_6 : vector<16xf32>
        %eq3A_186 = arith.cmpf oeq, %get3A_175, %get3A_6 : vector<16xf32>
        %lt3A_187 = arith.cmpf olt, %convert_element_type3A_184, %convert_element_type3A_9 : vector<16xf32>
        %and3A_188 = arith.andi %eq3A_186, %lt3A_187 : vector<16xi1>
        %or3A_189 = arith.ori %gt3A_185, %and3A_188 : vector<16xi1>
        %convert_element_type3A_190 = arith.extui %or3A_189 : vector<16xi1> to vector<16xi32>
        %broadcast_in_dim3A_191 = arith.constant true
        %broadcast_in_dim3A_192 = vector.broadcast %broadcast_in_dim3A_191 : i1 to vector<16xi1>
        %masked_cumsum3A_193 = tpu.scan <sum>, %convert_element_type3A_190 masked %broadcast_in_dim3A_192 : vector<16xi32>, vector<16xi1> -> vector<16xi32>
        %sub3A_194 = arith.constant 1 : i32
        %sub3A_195 = vector.broadcast %sub3A_194 : i32 to vector<16xi32>
        %sub3A_196 = arith.subi %add3A_169, %sub3A_195 : vector<16xi32>
        %add3A_197 = arith.addi %masked_cumsum3A_193, %sub3A_196 : vector<16xi32>
        tpu.vector_store_idx %arg18[%add3A_197], %add3A_183 masked %or3A_189 : memref<512xi32, #tpu.memory_space<vmem>>[vector<16xi32>], vector<16xi32>, vector<16xi1>
        tpu.vector_store_idx %arg19[%add3A_197], %get3A_175 masked %or3A_189 : memref<512xf32, #tpu.memory_space<vmem>>[vector<16xi32>], vector<16xf32>, vector<16xi1>
        tpu.vector_store_idx %arg20[%add3A_197], %get3A_179 masked %or3A_189 : memref<512xi32, #tpu.memory_space<vmem>>[vector<16xi32>], vector<16xi32>, vector<16xi1>
        %all_reduce_population_count3A_198 = tpu.all_reduce %or3A_189 {dim = 0 : i64, kind = #tpu.reduction_kind<sum>} : vector<16xi1> -> vector<16xi32>
        %add3A_199 = arith.addi %add3A_169, %all_reduce_population_count3A_198 : vector<16xi32>
        scf.yield %add3A_199 : vector<16xi32>
      }
      %scan3A_15 = arith.constant 1248 : i32
      %scan3A_16 = arith.addi %scan3A, %scan3A_15 : i32
      %mul3A_17 = arith.constant 16 : i32
      %mul3A_18 = arith.muli %scan3A_16, %mul3A_17 : i32
      %get3A_19 = arith.index_cast %mul3A_18 : i32 to index
      %get3A_20 = tpu.vector_load %arg10[%get3A_19] {strides = array<i32>} : memref<20000xf32, #tpu.memory_space<vmem>>, vector<16xf32>,
      %mul3A_21 = arith.constant 16 : i32
      %mul3A_22 = arith.muli %scan3A_16, %mul3A_21 : i32
      %get3A_23 = arith.index_cast %mul3A_22 : i32 to index
      %get3A_24 = tpu.vector_load %arg11[%get3A_23] {strides = array<i32>} : memref<20000xi32, #tpu.memory_space<vmem>>, vector<16xi32>,
      %mul3A_25 = arith.constant 16 : i32
      %mul3A_26 = arith.muli %scan3A_16, %mul3A_25 : i32
      %add3A_27 = vector.broadcast %mul3A_26 : i32 to vector<16xi32>
      %add3A_28 = arith.addi %iota3A, %add3A_27 : vector<16xi32>
      %convert_element_type3A_29 = arith.sitofp %add3A_28 : vector<16xi32> to vector<16xf32>
      %gt3A = arith.cmpf ogt, %get3A_20, %get3A_6 : vector<16xf32>
      %eq3A = arith.cmpf oeq, %get3A_20, %get3A_6 : vector<16xf32>
      %lt3A_30 = arith.cmpf olt, %convert_element_type3A_29, %convert_element_type3A_9 : vector<16xf32>
      %and3A = arith.andi %eq3A, %lt3A_30 : vector<16xi1>
      %or3A = arith.ori %gt3A, %and3A : vector<16xi1>
      %convert_element_type3A_31 = arith.extui %or3A : vector<16xi1> to vector<16xi32>
      %broadcast_in_dim3A_32 = arith.constant true
      %broadcast_in_dim3A_33 = vector.broadcast %broadcast_in_dim3A_32 : i1 to vector<16xi1>
      %masked_cumsum3A = tpu.scan <sum>, %convert_element_type3A_31 masked %broadcast_in_dim3A_33 : vector<16xi32>, vector<16xi1> -> vector<16xi32>
      %sub3A = arith.constant 1 : i32
      %sub3A_34 = vector.broadcast %sub3A : i32 to vector<16xi32>
      %sub3A_35 = arith.subi %scan3A_14, %sub3A_34 : vector<16xi32>
      %add3A_36 = arith.addi %masked_cumsum3A, %sub3A_35 : vector<16xi32>
      tpu.vector_store_idx %arg18[%add3A_36], %add3A_28 masked %or3A : memref<512xi32, #tpu.memory_space<vmem>>[vector<16xi32>], vector<16xi32>, vector<16xi1>
      tpu.vector_store_idx %arg19[%add3A_36], %get3A_20 masked %or3A : memref<512xf32, #tpu.memory_space<vmem>>[vector<16xi32>], vector<16xf32>, vector<16xi1>
      tpu.vector_store_idx %arg20[%add3A_36], %get3A_24 masked %or3A : memref<512xi32, #tpu.memory_space<vmem>>[vector<16xi32>], vector<16xi32>, vector<16xi1>
      %all_reduce_population_count3A = tpu.all_reduce %or3A {dim = 0 : i64, kind = #tpu.reduction_kind<sum>} : vector<16xi1> -> vector<16xi32>
      %add3A_37 = arith.addi %scan3A_14, %all_reduce_population_count3A : vector<16xi32>
      %scan3A_38 = arith.constant 1249 : i32
      %scan3A_39 = arith.addi %scan3A, %scan3A_38 : i32
      %mul3A_40 = arith.constant 16 : i32
      %mul3A_41 = arith.muli %scan3A_39, %mul3A_40 : i32
      %get3A_42 = arith.index_cast %mul3A_41 : i32 to index
      %get3A_43 = tpu.vector_load %arg10[%get3A_42] {strides = array<i32>} : memref<20000xf32, #tpu.memory_space<vmem>>, vector<16xf32>,
      %mul3A_44 = arith.constant 16 : i32
      %mul3A_45 = arith.muli %scan3A_39, %mul3A_44 : i32
      %get3A_46 = arith.index_cast %mul3A_45 : i32 to index
      %get3A_47 = tpu.vector_load %arg11[%get3A_46] {strides = array<i32>} : memref<20000xi32, #tpu.memory_space<vmem>>, vector<16xi32>,
      %mul3A_48 = arith.constant 16 : i32
      %mul3A_49 = arith.muli %scan3A_39, %mul3A_48 : i32
      %add3A_50 = vector.broadcast %mul3A_49 : i32 to vector<16xi32>
      %add3A_51 = arith.addi %iota3A, %add3A_50 : vector<16xi32>
      %convert_element_type3A_52 = arith.sitofp %add3A_51 : vector<16xi32> to vector<16xf32>
      %gt3A_53 = arith.cmpf ogt, %get3A_43, %get3A_6 : vector<16xf32>
      %eq3A_54 = arith.cmpf oeq, %get3A_43, %get3A_6 : vector<16xf32>
      %lt3A_55 = arith.cmpf olt, %convert_element_type3A_52, %convert_element_type3A_9 : vector<16xf32>
      %and3A_56 = arith.andi %eq3A_54, %lt3A_55 : vector<16xi1>
      %or3A_57 = arith.ori %gt3A_53, %and3A_56 : vector<16xi1>
      %convert_element_type3A_58 = arith.extui %or3A_57 : vector<16xi1> to vector<16xi32>
      %broadcast_in_dim3A_59 = arith.constant true
      %broadcast_in_dim3A_60 = vector.broadcast %broadcast_in_dim3A_59 : i1 to vector<16xi1>
      %masked_cumsum3A_61 = tpu.scan <sum>, %convert_element_type3A_58 masked %broadcast_in_dim3A_60 : vector<16xi32>, vector<16xi1> -> vector<16xi32>
      %sub3A_62 = arith.constant 1 : i32
      %sub3A_63 = vector.broadcast %sub3A_62 : i32 to vector<16xi32>
      %sub3A_64 = arith.subi %add3A_37, %sub3A_63 : vector<16xi32>
      %add3A_65 = arith.addi %masked_cumsum3A_61, %sub3A_64 : vector<16xi32>
      tpu.vector_store_idx %arg18[%add3A_65], %add3A_51 masked %or3A_57 : memref<512xi32, #tpu.memory_space<vmem>>[vector<16xi32>], vector<16xi32>, vector<16xi1>
      tpu.vector_store_idx %arg19[%add3A_65], %get3A_43 masked %or3A_57 : memref<512xf32, #tpu.memory_space<vmem>>[vector<16xi32>], vector<16xf32>, vector<16xi1>
      tpu.vector_store_idx %arg20[%add3A_65], %get3A_47 masked %or3A_57 : memref<512xi32, #tpu.memory_space<vmem>>[vector<16xi32>], vector<16xi32>, vector<16xi1>
      %all_reduce_population_count3A_66 = tpu.all_reduce %or3A_57 {dim = 0 : i64, kind = #tpu.reduction_kind<sum>} : vector<16xi1> -> vector<16xi32>
      %add3A_67 = arith.addi %add3A_37, %all_reduce_population_count3A_66 : vector<16xi32>
      %scan3A_68 = arith.constant 1250 : i32
      %scan3A_69 = arith.constant 0 : i32
      %scan3A_70 = arith.constant 0 : i32
      %scan3A_71 = arith.constant 32 : i32
      %scan3A_72 = arith.addi %scan3A_70, %scan3A_71 : i32
      %scan3A_73 = arith.constant 4 : i32
      %scan3A_74 = scf.for %scan3A_80 = %scan3A_70 to %scan3A_72 step %scan3A_73 iter_args(%scan3A_81 = %scan3A_69) -> (i32)  : i32 {
        %mul3A_82 = arith.constant 16 : i32
        %mul3A_83 = arith.muli %scan3A_80, %mul3A_82 : i32
        %get3A_84 = arith.index_cast %mul3A_83 : i32 to index
        %get3A_85 = tpu.vector_load %arg18[%get3A_84] {strides = array<i32>} : memref<512xi32, #tpu.memory_space<vmem>>, vector<16xi32>,
        %gather3A = tpu.vector_load_idx %arg12[%get3A_85] : memref<20000xf32, #tpu.memory_space<vmem>>[vector<16xi32>], vector<16xf32>,
        %gather3A_86 = tpu.vector_load_idx %arg13[%get3A_85] : memref<20000xf32, #tpu.memory_space<vmem>>[vector<16xi32>], vector<16xf32>,
        %gather3A_87 = tpu.vector_load_idx %arg14[%get3A_85] : memref<20000xf32, #tpu.memory_space<vmem>>[vector<16xi32>], vector<16xf32>,
        %gather3A_88 = tpu.vector_load_idx %arg15[%get3A_85] : memref<20000xf32, #tpu.memory_space<vmem>>[vector<16xi32>], vector<16xf32>,
        %mul3A_89 = arith.constant 5.000000e-01 : f32
        %mul3A_90 = vector.broadcast %mul3A_89 : f32 to vector<16xf32>
        %mul3A_91 = arith.mulf %gather3A_87, %mul3A_90 : vector<16xf32>
        %sub3A_92 = arith.subf %gather3A, %mul3A_91 : vector<16xf32>
        %swap3A = arith.index_cast %mul3A_83 : i32 to index
        %swap3A_93 = tpu.vector_load %arg21[%swap3A] {strides = array<i32>} : memref<512xf32, #tpu.memory_space<vmem>>, vector<16xf32>,
        tpu.vector_store %arg21[%swap3A], %sub3A_92 {strides = array<i32>} : memref<512xf32, #tpu.memory_space<vmem>>, vector<16xf32>,
        %mul3A_94 = arith.constant 5.000000e-01 : f32
        %mul3A_95 = vector.broadcast %mul3A_94 : f32 to vector<16xf32>
        %mul3A_96 = arith.mulf %gather3A_88, %mul3A_95 : vector<16xf32>
        %sub3A_97 = arith.subf %gather3A_86, %mul3A_96 : vector<16xf32>
        %swap3A_98 = arith.index_cast %mul3A_83 : i32 to index
        %swap3A_99 = tpu.vector_load %arg22[%swap3A_98] {strides = array<i32>} : memref<512xf32, #tpu.memory_space<vmem>>, vector<16xf32>,
        tpu.vector_store %arg22[%swap3A_98], %sub3A_97 {strides = array<i32>} : memref<512xf32, #tpu.memory_space<vmem>>, vector<16xf32>,
        %mul3A_100 = arith.constant 5.000000e-01 : f32
        %mul3A_101 = vector.broadcast %mul3A_100 : f32 to vector<16xf32>
        %mul3A_102 = arith.mulf %gather3A_87, %mul3A_101 : vector<16xf32>
        %add3A_103 = arith.addf %gather3A, %mul3A_102 : vector<16xf32>
        %swap3A_104 = arith.index_cast %mul3A_83 : i32 to index
        %swap3A_105 = tpu.vector_load %arg23[%swap3A_104] {strides = array<i32>} : memref<512xf32, #tpu.memory_space<vmem>>, vector<16xf32>,
        tpu.vector_store %arg23[%swap3A_104], %add3A_103 {strides = array<i32>} : memref<512xf32, #tpu.memory_space<vmem>>, vector<16xf32>,
        %mul3A_106 = arith.constant 5.000000e-01 : f32
        %mul3A_107 = vector.broadcast %mul3A_106 : f32 to vector<16xf32>
        %mul3A_108 = arith.mulf %gather3A_88, %mul3A_107 : vector<16xf32>
        %add3A_109 = arith.addf %gather3A_86, %mul3A_108 : vector<16xf32>
        %swap3A_110 = arith.index_cast %mul3A_83 : i32 to index
        %swap3A_111 = tpu.vector_load %arg24[%swap3A_110] {strides = array<i32>} : memref<512xf32, #tpu.memory_space<vmem>>, vector<16xf32>,
        tpu.vector_store %arg24[%swap3A_110], %add3A_109 {strides = array<i32>} : memref<512xf32, #tpu.memory_space<vmem>>, vector<16xf32>,
        %scan3A_112 = arith.constant 0 : i32
        %scan3A_113 = arith.constant 1 : i32
        %scan3A_114 = arith.addi %scan3A_80, %scan3A_113 : i32
        %mul3A_115 = arith.constant 16 : i32
        %mul3A_116 = arith.muli %scan3A_114, %mul3A_115 : i32
        %get3A_117 = arith.index_cast %mul3A_116 : i32 to index
        %get3A_118 = tpu.vector_load %arg18[%get3A_117] {strides = array<i32>} : memref<512xi32, #tpu.memory_space<vmem>>, vector<16xi32>,
        %gather3A_119 = tpu.vector_load_idx %arg12[%get3A_118] : memref<20000xf32, #tpu.memory_space<vmem>>[vector<16xi32>], vector<16xf32>,
        %gather3A_120 = tpu.vector_load_idx %arg13[%get3A_118] : memref<20000xf32, #tpu.memory_space<vmem>>[vector<16xi32>], vector<16xf32>,
        %gather3A_121 = tpu.vector_load_idx %arg14[%get3A_118] : memref<20000xf32, #tpu.memory_space<vmem>>[vector<16xi32>], vector<16xf32>,
        %gather3A_122 = tpu.vector_load_idx %arg15[%get3A_118] : memref<20000xf32, #tpu.memory_space<vmem>>[vector<16xi32>], vector<16xf32>,
        %mul3A_123 = arith.constant 5.000000e-01 : f32
        %mul3A_124 = vector.broadcast %mul3A_123 : f32 to vector<16xf32>
        %mul3A_125 = arith.mulf %gather3A_121, %mul3A_124 : vector<16xf32>
        %sub3A_126 = arith.subf %gather3A_119, %mul3A_125 : vector<16xf32>
        %swap3A_127 = arith.index_cast %mul3A_116 : i32 to index
        %swap3A_128 = tpu.vector_load %arg21[%swap3A_127] {strides = array<i32>} : memref<512xf32, #tpu.memory_space<vmem>>, vector<16xf32>,
        tpu.vector_store %arg21[%swap3A_127], %sub3A_126 {strides = array<i32>} : memref<512xf32, #tpu.memory_space<vmem>>, vector<16xf32>,
        %mul3A_129 = arith.constant 5.000000e-01 : f32
        %mul3A_130 = vector.broadcast %mul3A_129 : f32 to vector<16xf32>
        %mul3A_131 = arith.mulf %gather3A_122, %mul3A_130 : vector<16xf32>
        %sub3A_132 = arith.subf %gather3A_120, %mul3A_131 : vector<16xf32>
        %swap3A_133 = arith.index_cast %mul3A_116 : i32 to index
        %swap3A_134 = tpu.vector_load %arg22[%swap3A_133] {strides = array<i32>} : memref<512xf32, #tpu.memory_space<vmem>>, vector<16xf32>,
        tpu.vector_store %arg22[%swap3A_133], %sub3A_132 {strides = array<i32>} : memref<512xf32, #tpu.memory_space<vmem>>, vector<16xf32>,
        %mul3A_135 = arith.constant 5.000000e-01 : f32
        %mul3A_136 = vector.broadcast %mul3A_135 : f32 to vector<16xf32>
        %mul3A_137 = arith.mulf %gather3A_121, %mul3A_136 : vector<16xf32>
        %add3A_138 = arith.addf %gather3A_119, %mul3A_137 : vector<16xf32>
        %swap3A_139 = arith.index_cast %mul3A_116 : i32 to index
        %swap3A_140 = tpu.vector_load %arg23[%swap3A_139] {strides = array<i32>} : memref<512xf32, #tpu.memory_space<vmem>>, vector<16xf32>,
        tpu.vector_store %arg23[%swap3A_139], %add3A_138 {strides = array<i32>} : memref<512xf32, #tpu.memory_space<vmem>>, vector<16xf32>,
        %mul3A_141 = arith.constant 5.000000e-01 : f32
        %mul3A_142 = vector.broadcast %mul3A_141 : f32 to vector<16xf32>
        %mul3A_143 = arith.mulf %gather3A_122, %mul3A_142 : vector<16xf32>
        %add3A_144 = arith.addf %gather3A_120, %mul3A_143 : vector<16xf32>
        %swap3A_145 = arith.index_cast %mul3A_116 : i32 to index
        %swap3A_146 = tpu.vector_load %arg24[%swap3A_145] {strides = array<i32>} : memref<512xf32, #tpu.memory_space<vmem>>, vector<16xf32>,
        tpu.vector_store %arg24[%swap3A_145], %add3A_144 {strides = array<i32>} : memref<512xf32, #tpu.memory_space<vmem>>, vector<16xf32>,
        %scan3A_147 = arith.constant 0 : i32
        %scan3A_148 = arith.constant 2 : i32
        %scan3A_149 = arith.addi %scan3A_80, %scan3A_148 : i32
        %mul3A_150 = arith.constant 16 : i32
        %mul3A_151 = arith.muli %scan3A_149, %mul3A_150 : i32
        %get3A_152 = arith.index_cast %mul3A_151 : i32 to index
        %get3A_153 = tpu.vector_load %arg18[%get3A_152] {strides = array<i32>} : memref<512xi32, #tpu.memory_space<vmem>>, vector<16xi32>,
        %gather3A_154 = tpu.vector_load_idx %arg12[%get3A_153] : memref<20000xf32, #tpu.memory_space<vmem>>[vector<16xi32>], vector<16xf32>,
        %gather3A_155 = tpu.vector_load_idx %arg13[%get3A_153] : memref<20000xf32, #tpu.memory_space<vmem>>[vector<16xi32>], vector<16xf32>,
        %gather3A_156 = tpu.vector_load_idx %arg14[%get3A_153] : memref<20000xf32, #tpu.memory_space<vmem>>[vector<16xi32>], vector<16xf32>,
        %gather3A_157 = tpu.vector_load_idx %arg15[%get3A_153] : memref<20000xf32, #tpu.memory_space<vmem>>[vector<16xi32>], vector<16xf32>,
        %mul3A_158 = arith.constant 5.000000e-01 : f32
        %mul3A_159 = vector.broadcast %mul3A_158 : f32 to vector<16xf32>
        %mul3A_160 = arith.mulf %gather3A_156, %mul3A_159 : vector<16xf32>
        %sub3A_161 = arith.subf %gather3A_154, %mul3A_160 : vector<16xf32>
        %swap3A_162 = arith.index_cast %mul3A_151 : i32 to index
        %swap3A_163 = tpu.vector_load %arg21[%swap3A_162] {strides = array<i32>} : memref<512xf32, #tpu.memory_space<vmem>>, vector<16xf32>,
        tpu.vector_store %arg21[%swap3A_162], %sub3A_161 {strides = array<i32>} : memref<512xf32, #tpu.memory_space<vmem>>, vector<16xf32>,
        %mul3A_164 = arith.constant 5.000000e-01 : f32
        %mul3A_165 = vector.broadcast %mul3A_164 : f32 to vector<16xf32>
        %mul3A_166 = arith.mulf %gather3A_157, %mul3A_165 : vector<16xf32>
        %sub3A_167 = arith.subf %gather3A_155, %mul3A_166 : vector<16xf32>
        %swap3A_168 = arith.index_cast %mul3A_151 : i32 to index
        %swap3A_169 = tpu.vector_load %arg22[%swap3A_168] {strides = array<i32>} : memref<512xf32, #tpu.memory_space<vmem>>, vector<16xf32>,
        tpu.vector_store %arg22[%swap3A_168], %sub3A_167 {strides = array<i32>} : memref<512xf32, #tpu.memory_space<vmem>>, vector<16xf32>,
        %mul3A_170 = arith.constant 5.000000e-01 : f32
        %mul3A_171 = vector.broadcast %mul3A_170 : f32 to vector<16xf32>
        %mul3A_172 = arith.mulf %gather3A_156, %mul3A_171 : vector<16xf32>
        %add3A_173 = arith.addf %gather3A_154, %mul3A_172 : vector<16xf32>
        %swap3A_174 = arith.index_cast %mul3A_151 : i32 to index
        %swap3A_175 = tpu.vector_load %arg23[%swap3A_174] {strides = array<i32>} : memref<512xf32, #tpu.memory_space<vmem>>, vector<16xf32>,
        tpu.vector_store %arg23[%swap3A_174], %add3A_173 {strides = array<i32>} : memref<512xf32, #tpu.memory_space<vmem>>, vector<16xf32>,
        %mul3A_176 = arith.constant 5.000000e-01 : f32
        %mul3A_177 = vector.broadcast %mul3A_176 : f32 to vector<16xf32>
        %mul3A_178 = arith.mulf %gather3A_157, %mul3A_177 : vector<16xf32>
        %add3A_179 = arith.addf %gather3A_155, %mul3A_178 : vector<16xf32>
        %swap3A_180 = arith.index_cast %mul3A_151 : i32 to index
        %swap3A_181 = tpu.vector_load %arg24[%swap3A_180] {strides = array<i32>} : memref<512xf32, #tpu.memory_space<vmem>>, vector<16xf32>,
        tpu.vector_store %arg24[%swap3A_180], %add3A_179 {strides = array<i32>} : memref<512xf32, #tpu.memory_space<vmem>>, vector<16xf32>,
        %scan3A_182 = arith.constant 0 : i32
        %scan3A_183 = arith.constant 3 : i32
        %scan3A_184 = arith.addi %scan3A_80, %scan3A_183 : i32
        %mul3A_185 = arith.constant 16 : i32
        %mul3A_186 = arith.muli %scan3A_184, %mul3A_185 : i32
        %get3A_187 = arith.index_cast %mul3A_186 : i32 to index
        %get3A_188 = tpu.vector_load %arg18[%get3A_187] {strides = array<i32>} : memref<512xi32, #tpu.memory_space<vmem>>, vector<16xi32>,
        %gather3A_189 = tpu.vector_load_idx %arg12[%get3A_188] : memref<20000xf32, #tpu.memory_space<vmem>>[vector<16xi32>], vector<16xf32>,
        %gather3A_190 = tpu.vector_load_idx %arg13[%get3A_188] : memref<20000xf32, #tpu.memory_space<vmem>>[vector<16xi32>], vector<16xf32>,
        %gather3A_191 = tpu.vector_load_idx %arg14[%get3A_188] : memref<20000xf32, #tpu.memory_space<vmem>>[vector<16xi32>], vector<16xf32>,
        %gather3A_192 = tpu.vector_load_idx %arg15[%get3A_188] : memref<20000xf32, #tpu.memory_space<vmem>>[vector<16xi32>], vector<16xf32>,
        %mul3A_193 = arith.constant 5.000000e-01 : f32
        %mul3A_194 = vector.broadcast %mul3A_193 : f32 to vector<16xf32>
        %mul3A_195 = arith.mulf %gather3A_191, %mul3A_194 : vector<16xf32>
        %sub3A_196 = arith.subf %gather3A_189, %mul3A_195 : vector<16xf32>
        %swap3A_197 = arith.index_cast %mul3A_186 : i32 to index
        %swap3A_198 = tpu.vector_load %arg21[%swap3A_197] {strides = array<i32>} : memref<512xf32, #tpu.memory_space<vmem>>, vector<16xf32>,
        tpu.vector_store %arg21[%swap3A_197], %sub3A_196 {strides = array<i32>} : memref<512xf32, #tpu.memory_space<vmem>>, vector<16xf32>,
        %mul3A_199 = arith.constant 5.000000e-01 : f32
        %mul3A_200 = vector.broadcast %mul3A_199 : f32 to vector<16xf32>
        %mul3A_201 = arith.mulf %gather3A_192, %mul3A_200 : vector<16xf32>
        %sub3A_202 = arith.subf %gather3A_190, %mul3A_201 : vector<16xf32>
        %swap3A_203 = arith.index_cast %mul3A_186 : i32 to index
        %swap3A_204 = tpu.vector_load %arg22[%swap3A_203] {strides = array<i32>} : memref<512xf32, #tpu.memory_space<vmem>>, vector<16xf32>,
        tpu.vector_store %arg22[%swap3A_203], %sub3A_202 {strides = array<i32>} : memref<512xf32, #tpu.memory_space<vmem>>, vector<16xf32>,
        %mul3A_205 = arith.constant 5.000000e-01 : f32
        %mul3A_206 = vector.broadcast %mul3A_205 : f32 to vector<16xf32>
        %mul3A_207 = arith.mulf %gather3A_191, %mul3A_206 : vector<16xf32>
        %add3A_208 = arith.addf %gather3A_189, %mul3A_207 : vector<16xf32>
        %swap3A_209 = arith.index_cast %mul3A_186 : i32 to index
        %swap3A_210 = tpu.vector_load %arg23[%swap3A_209] {strides = array<i32>} : memref<512xf32, #tpu.memory_space<vmem>>, vector<16xf32>,
        tpu.vector_store %arg23[%swap3A_209], %add3A_208 {strides = array<i32>} : memref<512xf32, #tpu.memory_space<vmem>>, vector<16xf32>,
        %mul3A_211 = arith.constant 5.000000e-01 : f32
        %mul3A_212 = vector.broadcast %mul3A_211 : f32 to vector<16xf32>
        %mul3A_213 = arith.mulf %gather3A_192, %mul3A_212 : vector<16xf32>
        %add3A_214 = arith.addf %gather3A_190, %mul3A_213 : vector<16xf32>
        %swap3A_215 = arith.index_cast %mul3A_186 : i32 to index
        %swap3A_216 = tpu.vector_load %arg24[%swap3A_215] {strides = array<i32>} : memref<512xf32, #tpu.memory_space<vmem>>, vector<16xf32>,
        tpu.vector_store %arg24[%swap3A_215], %add3A_214 {strides = array<i32>} : memref<512xf32, #tpu.memory_space<vmem>>, vector<16xf32>,
        %scan3A_217 = arith.constant 0 : i32
        scf.yield %scan3A_217 : i32
      }
      %scan3A_75 = arith.constant 32 : i32
      "tpu.region"() ({
        %run_scoped3A_80 = tpu.sem_alloc : memref<!tpu.dma_semaphore, #tpu.memory_space<semaphore_mem>>
        %dma_start3A = arith.constant 0 : i32
        %dma_start3A_81 = tpu.memref_slice %arg7[%add3A, %dma_start3A] : memref<8x512xf32, #tpu.memory_space<hbm>> -> memref<1x512xf32, #tpu.memory_space<hbm>>
        %dma_start3A_82 = tpu.memref_squeeze %dma_start3A_81 : memref<1x512xf32, #tpu.memory_space<hbm>> -> memref<512xf32, #tpu.memory_space<hbm>>
        %dma_start3A_83 = arith.constant 0 : i32
        %dma_start3A_84 = tpu.memref_slice %arg7[%add3A, %dma_start3A_83] : memref<8x512xf32, #tpu.memory_space<hbm>> -> memref<1x512xf32, #tpu.memory_space<hbm>>
        %dma_start3A_85 = tpu.memref_squeeze %dma_start3A_84 : memref<1x512xf32, #tpu.memory_space<hbm>> -> memref<512xf32, #tpu.memory_space<hbm>>
        tpu.enqueue_dma source(%arg19 : memref<512xf32, #tpu.memory_space<vmem>>) target(%dma_start3A_85 : memref<512xf32, #tpu.memory_space<hbm>>) target_semaphore(%run_scoped3A_80 : memref<!tpu.dma_semaphore, #tpu.memory_space<semaphore_mem>>)
        %dma_wait3A = arith.constant 0 : i32
        %dma_wait3A_86 = tpu.memref_slice %arg7[%add3A, %dma_wait3A] : memref<8x512xf32, #tpu.memory_space<hbm>> -> memref<1x512xf32, #tpu.memory_space<hbm>>
        %dma_wait3A_87 = tpu.memref_squeeze %dma_wait3A_86 : memref<1x512xf32, #tpu.memory_space<hbm>> -> memref<512xf32, #tpu.memory_space<hbm>>
        %dma_wait3A_88 = arith.constant 0 : i32
        %dma_wait3A_89 = tpu.memref_slice %arg7[%add3A, %dma_wait3A_88] : memref<8x512xf32, #tpu.memory_space<hbm>> -> memref<1x512xf32, #tpu.memory_space<hbm>>
        %dma_wait3A_90 = tpu.memref_squeeze %dma_wait3A_89 : memref<1x512xf32, #tpu.memory_space<hbm>> -> memref<512xf32, #tpu.memory_space<hbm>>
        tpu.wait_dma2 semaphore(%run_scoped3A_80 : memref<!tpu.dma_semaphore, #tpu.memory_space<semaphore_mem>>) src(%arg19 : memref<512xf32, #tpu.memory_space<vmem>>) dst(%dma_wait3A_90 : memref<512xf32, #tpu.memory_space<hbm>>)
        tpu.yield
      }) : () -> ()
      "tpu.region"() ({
        %run_scoped3A_80 = tpu.sem_alloc : memref<!tpu.dma_semaphore, #tpu.memory_space<semaphore_mem>>
        %dma_start3A = arith.constant 0 : i32
        %dma_start3A_81 = tpu.memref_slice %arg8[%add3A, %dma_start3A] : memref<8x512xi32, #tpu.memory_space<hbm>> -> memref<1x512xi32, #tpu.memory_space<hbm>>
        %dma_start3A_82 = tpu.memref_squeeze %dma_start3A_81 : memref<1x512xi32, #tpu.memory_space<hbm>> -> memref<512xi32, #tpu.memory_space<hbm>>
        %dma_start3A_83 = arith.constant 0 : i32
        %dma_start3A_84 = tpu.memref_slice %arg8[%add3A, %dma_start3A_83] : memref<8x512xi32, #tpu.memory_space<hbm>> -> memref<1x512xi32, #tpu.memory_space<hbm>>
        %dma_start3A_85 = tpu.memref_squeeze %dma_start3A_84 : memref<1x512xi32, #tpu.memory_space<hbm>> -> memref<512xi32, #tpu.memory_space<hbm>>
        tpu.enqueue_dma source(%arg20 : memref<512xi32, #tpu.memory_space<vmem>>) target(%dma_start3A_85 : memref<512xi32, #tpu.memory_space<hbm>>) target_semaphore(%run_scoped3A_80 : memref<!tpu.dma_semaphore, #tpu.memory_space<semaphore_mem>>)
        %dma_wait3A = arith.constant 0 : i32
        %dma_wait3A_86 = tpu.memref_slice %arg8[%add3A, %dma_wait3A] : memref<8x512xi32, #tpu.memory_space<hbm>> -> memref<1x512xi32, #tpu.memory_space<hbm>>
        %dma_wait3A_87 = tpu.memref_squeeze %dma_wait3A_86 : memref<1x512xi32, #tpu.memory_space<hbm>> -> memref<512xi32, #tpu.memory_space<hbm>>
        %dma_wait3A_88 = arith.constant 0 : i32
        %dma_wait3A_89 = tpu.memref_slice %arg8[%add3A, %dma_wait3A_88] : memref<8x512xi32, #tpu.memory_space<hbm>> -> memref<1x512xi32, #tpu.memory_space<hbm>>
        %dma_wait3A_90 = tpu.memref_squeeze %dma_wait3A_89 : memref<1x512xi32, #tpu.memory_space<hbm>> -> memref<512xi32, #tpu.memory_space<hbm>>
        tpu.wait_dma2 semaphore(%run_scoped3A_80 : memref<!tpu.dma_semaphore, #tpu.memory_space<semaphore_mem>>) src(%arg20 : memref<512xi32, #tpu.memory_space<vmem>>) dst(%dma_wait3A_90 : memref<512xi32, #tpu.memory_space<hbm>>)
        tpu.yield
      }) : () -> ()
      %run_scoped3A_76 = arith.constant 0 : i32
      "tpu.region"() ({
        %run_scoped3A_80 = tpu.sem_alloc : memref<!tpu.dma_semaphore, #tpu.memory_space<semaphore_mem>>
        %dma_start3A = arith.constant 0 : i32
        %dma_start3A_81 = tpu.memref_slice %arg9[%add3A, %run_scoped3A_76, %dma_start3A] : memref<8x4x512xf32, #tpu.memory_space<hbm>> -> memref<1x1x512xf32, #tpu.memory_space<hbm>>
        %dma_start3A_82 = tpu.memref_squeeze %dma_start3A_81 : memref<1x1x512xf32, #tpu.memory_space<hbm>> -> memref<512xf32, #tpu.memory_space<hbm>>
        %dma_start3A_83 = arith.constant 0 : i32
        %dma_start3A_84 = tpu.memref_slice %arg9[%add3A, %run_scoped3A_76, %dma_start3A_83] : memref<8x4x512xf32, #tpu.memory_space<hbm>> -> memref<1x1x512xf32, #tpu.memory_space<hbm>>
        %dma_start3A_85 = tpu.memref_squeeze %dma_start3A_84 : memref<1x1x512xf32, #tpu.memory_space<hbm>> -> memref<512xf32, #tpu.memory_space<hbm>>
        tpu.enqueue_dma source(%arg21 : memref<512xf32, #tpu.memory_space<vmem>>) target(%dma_start3A_85 : memref<512xf32, #tpu.memory_space<hbm>>) target_semaphore(%run_scoped3A_80 : memref<!tpu.dma_semaphore, #tpu.memory_space<semaphore_mem>>)
        %dma_wait3A = arith.constant 0 : i32
        %dma_wait3A_86 = tpu.memref_slice %arg9[%add3A, %run_scoped3A_76, %dma_wait3A] : memref<8x4x512xf32, #tpu.memory_space<hbm>> -> memref<1x1x512xf32, #tpu.memory_space<hbm>>
        %dma_wait3A_87 = tpu.memref_squeeze %dma_wait3A_86 : memref<1x1x512xf32, #tpu.memory_space<hbm>> -> memref<512xf32, #tpu.memory_space<hbm>>
        %dma_wait3A_88 = arith.constant 0 : i32
        %dma_wait3A_89 = tpu.memref_slice %arg9[%add3A, %run_scoped3A_76, %dma_wait3A_88] : memref<8x4x512xf32, #tpu.memory_space<hbm>> -> memref<1x1x512xf32, #tpu.memory_space<hbm>>
        %dma_wait3A_90 = tpu.memref_squeeze %dma_wait3A_89 : memref<1x1x512xf32, #tpu.memory_space<hbm>> -> memref<512xf32, #tpu.memory_space<hbm>>
        tpu.wait_dma2 semaphore(%run_scoped3A_80 : memref<!tpu.dma_semaphore, #tpu.memory_space<semaphore_mem>>) src(%arg21 : memref<512xf32, #tpu.memory_space<vmem>>) dst(%dma_wait3A_90 : memref<512xf32, #tpu.memory_space<hbm>>)
        tpu.yield
      }) : () -> ()
      %run_scoped3A_77 = arith.constant 1 : i32
      "tpu.region"() ({
        %run_scoped3A_80 = tpu.sem_alloc : memref<!tpu.dma_semaphore, #tpu.memory_space<semaphore_mem>>
        %dma_start3A = arith.constant 0 : i32
        %dma_start3A_81 = tpu.memref_slice %arg9[%add3A, %run_scoped3A_77, %dma_start3A] : memref<8x4x512xf32, #tpu.memory_space<hbm>> -> memref<1x1x512xf32, #tpu.memory_space<hbm>>
        %dma_start3A_82 = tpu.memref_squeeze %dma_start3A_81 : memref<1x1x512xf32, #tpu.memory_space<hbm>> -> memref<512xf32, #tpu.memory_space<hbm>>
        %dma_start3A_83 = arith.constant 0 : i32
        %dma_start3A_84 = tpu.memref_slice %arg9[%add3A, %run_scoped3A_77, %dma_start3A_83] : memref<8x4x512xf32, #tpu.memory_space<hbm>> -> memref<1x1x512xf32, #tpu.memory_space<hbm>>
        %dma_start3A_85 = tpu.memref_squeeze %dma_start3A_84 : memref<1x1x512xf32, #tpu.memory_space<hbm>> -> memref<512xf32, #tpu.memory_space<hbm>>
        tpu.enqueue_dma source(%arg22 : memref<512xf32, #tpu.memory_space<vmem>>) target(%dma_start3A_85 : memref<512xf32, #tpu.memory_space<hbm>>) target_semaphore(%run_scoped3A_80 : memref<!tpu.dma_semaphore, #tpu.memory_space<semaphore_mem>>)
        %dma_wait3A = arith.constant 0 : i32
        %dma_wait3A_86 = tpu.memref_slice %arg9[%add3A, %run_scoped3A_77, %dma_wait3A] : memref<8x4x512xf32, #tpu.memory_space<hbm>> -> memref<1x1x512xf32, #tpu.memory_space<hbm>>
        %dma_wait3A_87 = tpu.memref_squeeze %dma_wait3A_86 : memref<1x1x512xf32, #tpu.memory_space<hbm>> -> memref<512xf32, #tpu.memory_space<hbm>>
        %dma_wait3A_88 = arith.constant 0 : i32
        %dma_wait3A_89 = tpu.memref_slice %arg9[%add3A, %run_scoped3A_77, %dma_wait3A_88] : memref<8x4x512xf32, #tpu.memory_space<hbm>> -> memref<1x1x512xf32, #tpu.memory_space<hbm>>
        %dma_wait3A_90 = tpu.memref_squeeze %dma_wait3A_89 : memref<1x1x512xf32, #tpu.memory_space<hbm>> -> memref<512xf32, #tpu.memory_space<hbm>>
        tpu.wait_dma2 semaphore(%run_scoped3A_80 : memref<!tpu.dma_semaphore, #tpu.memory_space<semaphore_mem>>) src(%arg22 : memref<512xf32, #tpu.memory_space<vmem>>) dst(%dma_wait3A_90 : memref<512xf32, #tpu.memory_space<hbm>>)
        tpu.yield
      }) : () -> ()
      %run_scoped3A_78 = arith.constant 2 : i32
      "tpu.region"() ({
        %run_scoped3A_80 = tpu.sem_alloc : memref<!tpu.dma_semaphore, #tpu.memory_space<semaphore_mem>>
        %dma_start3A = arith.constant 0 : i32
        %dma_start3A_81 = tpu.memref_slice %arg9[%add3A, %run_scoped3A_78, %dma_start3A] : memref<8x4x512xf32, #tpu.memory_space<hbm>> -> memref<1x1x512xf32, #tpu.memory_space<hbm>>
        %dma_start3A_82 = tpu.memref_squeeze %dma_start3A_81 : memref<1x1x512xf32, #tpu.memory_space<hbm>> -> memref<512xf32, #tpu.memory_space<hbm>>
        %dma_start3A_83 = arith.constant 0 : i32
        %dma_start3A_84 = tpu.memref_slice %arg9[%add3A, %run_scoped3A_78, %dma_start3A_83] : memref<8x4x512xf32, #tpu.memory_space<hbm>> -> memref<1x1x512xf32, #tpu.memory_space<hbm>>
        %dma_start3A_85 = tpu.memref_squeeze %dma_start3A_84 : memref<1x1x512xf32, #tpu.memory_space<hbm>> -> memref<512xf32, #tpu.memory_space<hbm>>
        tpu.enqueue_dma source(%arg23 : memref<512xf32, #tpu.memory_space<vmem>>) target(%dma_start3A_85 : memref<512xf32, #tpu.memory_space<hbm>>) target_semaphore(%run_scoped3A_80 : memref<!tpu.dma_semaphore, #tpu.memory_space<semaphore_mem>>)
        %dma_wait3A = arith.constant 0 : i32
        %dma_wait3A_86 = tpu.memref_slice %arg9[%add3A, %run_scoped3A_78, %dma_wait3A] : memref<8x4x512xf32, #tpu.memory_space<hbm>> -> memref<1x1x512xf32, #tpu.memory_space<hbm>>
        %dma_wait3A_87 = tpu.memref_squeeze %dma_wait3A_86 : memref<1x1x512xf32, #tpu.memory_space<hbm>> -> memref<512xf32, #tpu.memory_space<hbm>>
        %dma_wait3A_88 = arith.constant 0 : i32
        %dma_wait3A_89 = tpu.memref_slice %arg9[%add3A, %run_scoped3A_78, %dma_wait3A_88] : memref<8x4x512xf32, #tpu.memory_space<hbm>> -> memref<1x1x512xf32, #tpu.memory_space<hbm>>
        %dma_wait3A_90 = tpu.memref_squeeze %dma_wait3A_89 : memref<1x1x512xf32, #tpu.memory_space<hbm>> -> memref<512xf32, #tpu.memory_space<hbm>>
        tpu.wait_dma2 semaphore(%run_scoped3A_80 : memref<!tpu.dma_semaphore, #tpu.memory_space<semaphore_mem>>) src(%arg23 : memref<512xf32, #tpu.memory_space<vmem>>) dst(%dma_wait3A_90 : memref<512xf32, #tpu.memory_space<hbm>>)
        tpu.yield
      }) : () -> ()
      %run_scoped3A_79 = arith.constant 3 : i32
      "tpu.region"() ({
        %run_scoped3A_80 = tpu.sem_alloc : memref<!tpu.dma_semaphore, #tpu.memory_space<semaphore_mem>>
        %dma_start3A = arith.constant 0 : i32
        %dma_start3A_81 = tpu.memref_slice %arg9[%add3A, %run_scoped3A_79, %dma_start3A] : memref<8x4x512xf32, #tpu.memory_space<hbm>> -> memref<1x1x512xf32, #tpu.memory_space<hbm>>
        %dma_start3A_82 = tpu.memref_squeeze %dma_start3A_81 : memref<1x1x512xf32, #tpu.memory_space<hbm>> -> memref<512xf32, #tpu.memory_space<hbm>>
        %dma_start3A_83 = arith.constant 0 : i32
        %dma_start3A_84 = tpu.memref_slice %arg9[%add3A, %run_scoped3A_79, %dma_start3A_83] : memref<8x4x512xf32, #tpu.memory_space<hbm>> -> memref<1x1x512xf32, #tpu.memory_space<hbm>>
        %dma_start3A_85 = tpu.memref_squeeze %dma_start3A_84 : memref<1x1x512xf32, #tpu.memory_space<hbm>> -> memref<512xf32, #tpu.memory_space<hbm>>
        tpu.enqueue_dma source(%arg24 : memref<512xf32, #tpu.memory_space<vmem>>) target(%dma_start3A_85 : memref<512xf32, #tpu.memory_space<hbm>>) target_semaphore(%run_scoped3A_80 : memref<!tpu.dma_semaphore, #tpu.memory_space<semaphore_mem>>)
        %dma_wait3A = arith.constant 0 : i32
        %dma_wait3A_86 = tpu.memref_slice %arg9[%add3A, %run_scoped3A_79, %dma_wait3A] : memref<8x4x512xf32, #tpu.memory_space<hbm>> -> memref<1x1x512xf32, #tpu.memory_space<hbm>>
        %dma_wait3A_87 = tpu.memref_squeeze %dma_wait3A_86 : memref<1x1x512xf32, #tpu.memory_space<hbm>> -> memref<512xf32, #tpu.memory_space<hbm>>
        %dma_wait3A_88 = arith.constant 0 : i32
        %dma_wait3A_89 = tpu.memref_slice %arg9[%add3A, %run_scoped3A_79, %dma_wait3A_88] : memref<8x4x512xf32, #tpu.memory_space<hbm>> -> memref<1x1x512xf32, #tpu.memory_space<hbm>>
        %dma_wait3A_90 = tpu.memref_squeeze %dma_wait3A_89 : memref<1x1x512xf32, #tpu.memory_space<hbm>> -> memref<512xf32, #tpu.memory_space<hbm>>
        tpu.wait_dma2 semaphore(%run_scoped3A_80 : memref<!tpu.dma_semaphore, #tpu.memory_space<semaphore_mem>>) src(%arg24 : memref<512xf32, #tpu.memory_space<vmem>>) dst(%dma_wait3A_90 : memref<512xf32, #tpu.memory_space<hbm>>)
        tpu.yield
      }) : () -> ()
    } else {
    }
    return
  }
}

module attributes {stable_mosaic.version = 14 : i64} {
  func.func @_k1a_body(%arg0: i32, %arg1: memref<1x84x20000xf32, #tpu.memory_space<vmem>>, %arg2: memref<1x1x20000xf32, #tpu.memory_space<vmem>>, %arg3: memref<1x1x20000xi32, #tpu.memory_space<vmem>>) attributes {dimension_semantics = [#tpu.dimension_semantics<arbitrary>], iteration_bounds = array<i64: 8>, scalar_prefetch = 0 : i64, scratch_operands = 0 : i64, tpu.core_type = #tpu.core_type<tc>, window_params = [{transform_indices = @transform_0, window_bounds = array<i64: 1, 84, 20000>}, {transform_indices = @transform_1, window_bounds = array<i64: 1, 1, 20000>}, {transform_indices = @transform_2, window_bounds = array<i64: 1, 1, 20000>}]} {
    %get3A = arith.constant 0 : index
    %get3A_0 = arith.constant 0 : index
    %get3A_1 = arith.constant 0 : index
    %get3A_2 = vector.load %arg1[%get3A, %get3A_0, %get3A_1] : memref<1x84x20000xf32, #tpu.memory_space<vmem>>, vector<1x84x20000xf32>
    %get3A_3 = vector.shape_cast %get3A_2 : vector<1x84x20000xf32> to vector<84x20000xf32>
    %iota3A = tpu.iota {dimensions = array<i32: 0>} : vector<8x20000xi32>
    %slice3A = vector.extract_strided_slice %get3A_3 {offsets = [4, 0], sizes = [8, 20000], strides = [1, 1]} : vector<84x20000xf32> to vector<8x20000xf32>
    %slice3A_4 = vector.extract_strided_slice %get3A_3 {offsets = [12, 0], sizes = [8, 20000], strides = [1, 1]} : vector<84x20000xf32> to vector<8x20000xf32>
    %gt3A = arith.cmpf ogt, %slice3A_4, %slice3A : vector<8x20000xf32>
    %add3A = arith.constant 8 : i32
    %add3A_5 = vector.broadcast %add3A : i32 to vector<8x20000xi32>
    %add3A_6 = arith.addi %iota3A, %add3A_5 : vector<8x20000xi32>
    %select_n3A = arith.select %gt3A, %add3A_6, %iota3A : vector<8x20000xi1>, vector<8x20000xi32>
    %max3A = arith.maximumf %slice3A, %slice3A_4 : vector<8x20000xf32>
    %slice3A_7 = vector.extract_strided_slice %get3A_3 {offsets = [20, 0], sizes = [8, 20000], strides = [1, 1]} : vector<84x20000xf32> to vector<8x20000xf32>
    %gt3A_8 = arith.cmpf ogt, %slice3A_7, %max3A : vector<8x20000xf32>
    %add3A_9 = arith.constant 16 : i32
    %add3A_10 = vector.broadcast %add3A_9 : i32 to vector<8x20000xi32>
    %add3A_11 = arith.addi %iota3A, %add3A_10 : vector<8x20000xi32>
    %select_n3A_12 = arith.select %gt3A_8, %add3A_11, %select_n3A : vector<8x20000xi1>, vector<8x20000xi32>
    %max3A_13 = arith.maximumf %max3A, %slice3A_7 : vector<8x20000xf32>
    %slice3A_14 = vector.extract_strided_slice %get3A_3 {offsets = [28, 0], sizes = [8, 20000], strides = [1, 1]} : vector<84x20000xf32> to vector<8x20000xf32>
    %gt3A_15 = arith.cmpf ogt, %slice3A_14, %max3A_13 : vector<8x20000xf32>
    %add3A_16 = arith.constant 24 : i32
    %add3A_17 = vector.broadcast %add3A_16 : i32 to vector<8x20000xi32>
    %add3A_18 = arith.addi %iota3A, %add3A_17 : vector<8x20000xi32>
    %select_n3A_19 = arith.select %gt3A_15, %add3A_18, %select_n3A_12 : vector<8x20000xi1>, vector<8x20000xi32>
    %max3A_20 = arith.maximumf %max3A_13, %slice3A_14 : vector<8x20000xf32>
    %slice3A_21 = vector.extract_strided_slice %get3A_3 {offsets = [36, 0], sizes = [8, 20000], strides = [1, 1]} : vector<84x20000xf32> to vector<8x20000xf32>
    %gt3A_22 = arith.cmpf ogt, %slice3A_21, %max3A_20 : vector<8x20000xf32>
    %add3A_23 = arith.constant 32 : i32
    %add3A_24 = vector.broadcast %add3A_23 : i32 to vector<8x20000xi32>
    %add3A_25 = arith.addi %iota3A, %add3A_24 : vector<8x20000xi32>
    %select_n3A_26 = arith.select %gt3A_22, %add3A_25, %select_n3A_19 : vector<8x20000xi1>, vector<8x20000xi32>
    %max3A_27 = arith.maximumf %max3A_20, %slice3A_21 : vector<8x20000xf32>
    %slice3A_28 = vector.extract_strided_slice %get3A_3 {offsets = [44, 0], sizes = [8, 20000], strides = [1, 1]} : vector<84x20000xf32> to vector<8x20000xf32>
    %gt3A_29 = arith.cmpf ogt, %slice3A_28, %max3A_27 : vector<8x20000xf32>
    %add3A_30 = arith.constant 40 : i32
    %add3A_31 = vector.broadcast %add3A_30 : i32 to vector<8x20000xi32>
    %add3A_32 = arith.addi %iota3A, %add3A_31 : vector<8x20000xi32>
    %select_n3A_33 = arith.select %gt3A_29, %add3A_32, %select_n3A_26 : vector<8x20000xi1>, vector<8x20000xi32>
    %max3A_34 = arith.maximumf %max3A_27, %slice3A_28 : vector<8x20000xf32>
    %slice3A_35 = vector.extract_strided_slice %get3A_3 {offsets = [52, 0], sizes = [8, 20000], strides = [1, 1]} : vector<84x20000xf32> to vector<8x20000xf32>
    %gt3A_36 = arith.cmpf ogt, %slice3A_35, %max3A_34 : vector<8x20000xf32>
    %add3A_37 = arith.constant 48 : i32
    %add3A_38 = vector.broadcast %add3A_37 : i32 to vector<8x20000xi32>
    %add3A_39 = arith.addi %iota3A, %add3A_38 : vector<8x20000xi32>
    %select_n3A_40 = arith.select %gt3A_36, %add3A_39, %select_n3A_33 : vector<8x20000xi1>, vector<8x20000xi32>
    %max3A_41 = arith.maximumf %max3A_34, %slice3A_35 : vector<8x20000xf32>
    %slice3A_42 = vector.extract_strided_slice %get3A_3 {offsets = [60, 0], sizes = [8, 20000], strides = [1, 1]} : vector<84x20000xf32> to vector<8x20000xf32>
    %gt3A_43 = arith.cmpf ogt, %slice3A_42, %max3A_41 : vector<8x20000xf32>
    %add3A_44 = arith.constant 56 : i32
    %add3A_45 = vector.broadcast %add3A_44 : i32 to vector<8x20000xi32>
    %add3A_46 = arith.addi %iota3A, %add3A_45 : vector<8x20000xi32>
    %select_n3A_47 = arith.select %gt3A_43, %add3A_46, %select_n3A_40 : vector<8x20000xi1>, vector<8x20000xi32>
    %max3A_48 = arith.maximumf %max3A_41, %slice3A_42 : vector<8x20000xf32>
    %slice3A_49 = vector.extract_strided_slice %get3A_3 {offsets = [68, 0], sizes = [8, 20000], strides = [1, 1]} : vector<84x20000xf32> to vector<8x20000xf32>
    %gt3A_50 = arith.cmpf ogt, %slice3A_49, %max3A_48 : vector<8x20000xf32>
    %add3A_51 = arith.constant 64 : i32
    %add3A_52 = vector.broadcast %add3A_51 : i32 to vector<8x20000xi32>
    %add3A_53 = arith.addi %iota3A, %add3A_52 : vector<8x20000xi32>
    %select_n3A_54 = arith.select %gt3A_50, %add3A_53, %select_n3A_47 : vector<8x20000xi1>, vector<8x20000xi32>
    %max3A_55 = arith.maximumf %max3A_48, %slice3A_49 : vector<8x20000xf32>
    %slice3A_56 = vector.extract_strided_slice %get3A_3 {offsets = [76, 0], sizes = [8, 20000], strides = [1, 1]} : vector<84x20000xf32> to vector<8x20000xf32>
    %gt3A_57 = arith.cmpf ogt, %slice3A_56, %max3A_55 : vector<8x20000xf32>
    %add3A_58 = arith.constant 72 : i32
    %add3A_59 = vector.broadcast %add3A_58 : i32 to vector<8x20000xi32>
    %add3A_60 = arith.addi %iota3A, %add3A_59 : vector<8x20000xi32>
    %select_n3A_61 = arith.select %gt3A_57, %add3A_60, %select_n3A_54 : vector<8x20000xi1>, vector<8x20000xi32>
    %max3A_62 = arith.maximumf %max3A_55, %slice3A_56 : vector<8x20000xf32>
    %slice3A_63 = vector.extract_strided_slice %max3A_62 {offsets = [0, 0], sizes = [4, 20000], strides = [1, 1]} : vector<8x20000xf32> to vector<4x20000xf32>
    %slice3A_64 = vector.extract_strided_slice %max3A_62 {offsets = [4, 0], sizes = [4, 20000], strides = [1, 1]} : vector<8x20000xf32> to vector<4x20000xf32>
    %max3A_65 = arith.maximumf %slice3A_63, %slice3A_64 : vector<4x20000xf32>
    %slice3A_66 = vector.extract_strided_slice %max3A_62 {offsets = [0, 0], sizes = [4, 20000], strides = [1, 1]} : vector<8x20000xf32> to vector<4x20000xf32>
    %slice3A_67 = vector.extract_strided_slice %max3A_62 {offsets = [4, 0], sizes = [4, 20000], strides = [1, 1]} : vector<8x20000xf32> to vector<4x20000xf32>
    %ge3A = arith.cmpf oge, %slice3A_66, %slice3A_67 : vector<4x20000xf32>
    %slice3A_68 = vector.extract_strided_slice %select_n3A_61 {offsets = [0, 0], sizes = [4, 20000], strides = [1, 1]} : vector<8x20000xi32> to vector<4x20000xi32>
    %slice3A_69 = vector.extract_strided_slice %select_n3A_61 {offsets = [4, 0], sizes = [4, 20000], strides = [1, 1]} : vector<8x20000xi32> to vector<4x20000xi32>
    %select_n3A_70 = arith.select %ge3A, %slice3A_68, %slice3A_69 : vector<4x20000xi1>, vector<4x20000xi32>
    %slice3A_71 = vector.extract_strided_slice %max3A_65 {offsets = [0, 0], sizes = [2, 20000], strides = [1, 1]} : vector<4x20000xf32> to vector<2x20000xf32>
    %slice3A_72 = vector.extract_strided_slice %max3A_65 {offsets = [2, 0], sizes = [2, 20000], strides = [1, 1]} : vector<4x20000xf32> to vector<2x20000xf32>
    %max3A_73 = arith.maximumf %slice3A_71, %slice3A_72 : vector<2x20000xf32>
    %slice3A_74 = vector.extract_strided_slice %max3A_65 {offsets = [0, 0], sizes = [2, 20000], strides = [1, 1]} : vector<4x20000xf32> to vector<2x20000xf32>
    %slice3A_75 = vector.extract_strided_slice %max3A_65 {offsets = [2, 0], sizes = [2, 20000], strides = [1, 1]} : vector<4x20000xf32> to vector<2x20000xf32>
    %ge3A_76 = arith.cmpf oge, %slice3A_74, %slice3A_75 : vector<2x20000xf32>
    %slice3A_77 = vector.extract_strided_slice %select_n3A_70 {offsets = [0, 0], sizes = [2, 20000], strides = [1, 1]} : vector<4x20000xi32> to vector<2x20000xi32>
    %slice3A_78 = vector.extract_strided_slice %select_n3A_70 {offsets = [2, 0], sizes = [2, 20000], strides = [1, 1]} : vector<4x20000xi32> to vector<2x20000xi32>
    %select_n3A_79 = arith.select %ge3A_76, %slice3A_77, %slice3A_78 : vector<2x20000xi1>, vector<2x20000xi32>
    %slice3A_80 = vector.extract_strided_slice %max3A_73 {offsets = [0, 0], sizes = [1, 20000], strides = [1, 1]} : vector<2x20000xf32> to vector<1x20000xf32>
    %slice3A_81 = vector.extract_strided_slice %max3A_73 {offsets = [1, 0], sizes = [1, 20000], strides = [1, 1]} : vector<2x20000xf32> to vector<1x20000xf32>
    %max3A_82 = arith.maximumf %slice3A_80, %slice3A_81 : vector<1x20000xf32>
    %slice3A_83 = vector.extract_strided_slice %max3A_73 {offsets = [0, 0], sizes = [1, 20000], strides = [1, 1]} : vector<2x20000xf32> to vector<1x20000xf32>
    %slice3A_84 = vector.extract_strided_slice %max3A_73 {offsets = [1, 0], sizes = [1, 20000], strides = [1, 1]} : vector<2x20000xf32> to vector<1x20000xf32>
    %ge3A_85 = arith.cmpf oge, %slice3A_83, %slice3A_84 : vector<1x20000xf32>
    %slice3A_86 = vector.extract_strided_slice %select_n3A_79 {offsets = [0, 0], sizes = [1, 20000], strides = [1, 1]} : vector<2x20000xi32> to vector<1x20000xi32>
    %slice3A_87 = vector.extract_strided_slice %select_n3A_79 {offsets = [1, 0], sizes = [1, 20000], strides = [1, 1]} : vector<2x20000xi32> to vector<1x20000xi32>
    %select_n3A_88 = arith.select %ge3A_85, %slice3A_86, %slice3A_87 : vector<1x20000xi1>, vector<1x20000xi32>
    %swap3A = arith.constant 0 : index
    %swap3A_89 = arith.constant 0 : index
    %swap3A_90 = arith.constant 0 : index
    %swap3A_91 = vector.load %arg2[%swap3A, %swap3A_89, %swap3A_90] : memref<1x1x20000xf32, #tpu.memory_space<vmem>>, vector<1x1x20000xf32>
    %swap3A_92 = vector.shape_cast %swap3A_91 : vector<1x1x20000xf32> to vector<1x20000xf32>
    %swap3A_93 = vector.shape_cast %max3A_82 : vector<1x20000xf32> to vector<1x1x20000xf32>
    tpu.vector_store %arg2[%swap3A, %swap3A_89, %swap3A_90], %swap3A_93 {strides = array<i32>} : memref<1x1x20000xf32, #tpu.memory_space<vmem>>, vector<1x1x20000xf32>,
    %swap3A_94 = arith.constant 0 : index
    %swap3A_95 = arith.constant 0 : index
    %swap3A_96 = arith.constant 0 : index
    %swap3A_97 = vector.load %arg3[%swap3A_94, %swap3A_95, %swap3A_96] : memref<1x1x20000xi32, #tpu.memory_space<vmem>>, vector<1x1x20000xi32>
    %swap3A_98 = vector.shape_cast %swap3A_97 : vector<1x1x20000xi32> to vector<1x20000xi32>
    %swap3A_99 = vector.shape_cast %select_n3A_88 : vector<1x20000xi32> to vector<1x1x20000xi32>
    tpu.vector_store %arg3[%swap3A_94, %swap3A_95, %swap3A_96], %swap3A_99 {strides = array<i32>} : memref<1x1x20000xi32, #tpu.memory_space<vmem>>, vector<1x1x20000xi32>,
    return
  }
  func.func @transform_0(%arg0: i32) -> (i32, i32, i32) {
    %c0_i32 = arith.constant 0 : i32
    %c0_i32_0 = arith.constant 0 : i32
    %c0_i32_1 = arith.constant 0 : i32
    return %arg0, %c0_i32, %c0_i32_0 : i32, i32, i32
  }
  func.func @transform_1(%arg0: i32) -> (i32, i32, i32) {
    %c0_i32 = arith.constant 0 : i32
    %c0_i32_0 = arith.constant 0 : i32
    %c0_i32_1 = arith.constant 0 : i32
    return %arg0, %c0_i32, %c0_i32_0 : i32, i32, i32
  }
  func.func @transform_2(%arg0: i32) -> (i32, i32, i32) {
    %c0_i32 = arith.constant 0 : i32
    %c0_i32_0 = arith.constant 0 : i32
    %c0_i32_1 = arith.constant 0 : i32
    return %arg0, %c0_i32, %c0_i32_0 : i32, i32, i32
  }
}

module attributes {stable_mosaic.version = 14 : i64} {
  func.func @_k1b_body(%arg0: memref<8x8x2500xf32, #tpu.memory_space<vmem>>, %arg1: memref<8x1x16xf32, #tpu.memory_space<vmem>>, %arg2: memref<8x1x16xi32, #tpu.memory_space<vmem>>) attributes {dimension_semantics = [], scalar_prefetch = 0 : i64, scratch_operands = 0 : i64, tpu.core_type = #tpu.core_type<tc>} {
    %get3A = arith.constant 0 : index
    %get3A_0 = arith.constant 0 : index
    %get3A_1 = arith.constant 0 : index
    %get3A_2 = vector.load %arg0[%get3A, %get3A_0, %get3A_1] : memref<8x8x2500xf32, #tpu.memory_space<vmem>>, vector<8x8x2500xf32>
    %bitcast_convert_type3A = tpu.bitcast %get3A_2 : vector<8x8x2500xf32> -> vector<8x8x2500xi32>
    %ge3A = arith.constant 0 : i32
    %ge3A_3 = vector.broadcast %ge3A : i32 to vector<8x8x2500xi32>
    %ge3A_4 = arith.cmpi sge, %bitcast_convert_type3A, %ge3A_3 : vector<8x8x2500xi32>
    %xor3A = arith.constant 2147483647 : i32
    %xor3A_5 = vector.broadcast %xor3A : i32 to vector<8x8x2500xi32>
    %xor3A_6 = arith.xori %bitcast_convert_type3A, %xor3A_5 : vector<8x8x2500xi32>
    %select_n3A = arith.select %ge3A_4, %bitcast_convert_type3A, %xor3A_6 : vector<8x8x2500xi1>, vector<8x8x2500xi32>
    %reduce_min3A = arith.constant dense<2147483647> : vector<8xi32>
    %reduce_min3A_7 = vector.multi_reduction <minsi>, %select_n3A, %reduce_min3A [1, 2] : vector<8x8x2500xi32> to vector<8xi32>
    %broadcast_in_dim3A = vector.shape_cast %reduce_min3A_7 : vector<8xi32> to vector<8x1x1xi32>
    %reduce_max3A = arith.constant dense<-2147483648> : vector<8xi32>
    %reduce_max3A_8 = vector.multi_reduction <maxsi>, %select_n3A, %reduce_max3A [1, 2] : vector<8x8x2500xi32> to vector<8xi32>
    %broadcast_in_dim3A_9 = vector.shape_cast %reduce_max3A_8 : vector<8xi32> to vector<8x1x1xi32>
    %add3A = arith.constant 1 : i32
    %add3A_10 = vector.broadcast %add3A : i32 to vector<8x1x1xi32>
    %add3A_11 = arith.addi %broadcast_in_dim3A_9, %add3A_10 : vector<8x1x1xi32>
    %scan3A = arith.constant 0 : i32
    %scan3A_12 = arith.constant 16 : i32
    %scan3A_13 = arith.addi %scan3A, %scan3A_12 : i32
    %scan3A_14 = arith.constant 1 : i32
    %scan3A_15:2 = scf.for %scan3A_59 = %scan3A to %scan3A_13 step %scan3A_14 iter_args(%scan3A_60 = %broadcast_in_dim3A, %scan3A_61 = %add3A_11) -> (vector<8x1x1xi32>, vector<8x1x1xi32>)  : i32 {
      %sub3A_62 = arith.subi %scan3A_61, %scan3A_60 : vector<8x1x1xi32>
      %jit3A_63 = arith.constant 4 : i32
      %div3A = vector.broadcast %jit3A_63 : i32 to vector<8x1x1xi32>
      %div3A_64 = arith.divsi %sub3A_62, %div3A : vector<8x1x1xi32>
      %sign3A = arith.constant 0 : i32
      %sign3A_65 = vector.broadcast %sign3A : i32 to vector<8x1x1xi32>
      %sign3A_66 = arith.cmpi sgt, %sub3A_62, %sign3A_65 : vector<8x1x1xi32>
      %sign3A_67 = arith.extui %sign3A_66 : vector<8x1x1xi1> to vector<8x1x1xi32>
      %sign3A_68 = arith.constant 0 : i32
      %sign3A_69 = vector.broadcast %sign3A_68 : i32 to vector<8x1x1xi32>
      %sign3A_70 = arith.cmpi slt, %sub3A_62, %sign3A_69 : vector<8x1x1xi32>
      %sign3A_71 = arith.extui %sign3A_70 : vector<8x1x1xi1> to vector<8x1x1xi32>
      %sign3A_72 = arith.subi %sign3A_67, %sign3A_71 : vector<8x1x1xi32>
      %sign3A_73 = arith.constant 0 : i32
      %sign3A_74 = arith.cmpi sgt, %jit3A_63, %sign3A_73 : i32
      %sign3A_75 = arith.extui %sign3A_74 : i1 to i32
      %sign3A_76 = arith.constant 0 : i32
      %sign3A_77 = arith.cmpi slt, %jit3A_63, %sign3A_76 : i32
      %sign3A_78 = arith.extui %sign3A_77 : i1 to i32
      %sign3A_79 = arith.subi %sign3A_75, %sign3A_78 : i32
      %ne3A = vector.broadcast %sign3A_79 : i32 to vector<8x1x1xi32>
      %ne3A_80 = arith.cmpi ne, %sign3A_72, %ne3A : vector<8x1x1xi32>
      %rem3A = vector.broadcast %jit3A_63 : i32 to vector<8x1x1xi32>
      %rem3A_81 = arith.remsi %sub3A_62, %rem3A : vector<8x1x1xi32>
      %ne3A_82 = arith.constant 0 : i32
      %ne3A_83 = vector.broadcast %ne3A_82 : i32 to vector<8x1x1xi32>
      %ne3A_84 = arith.cmpi ne, %rem3A_81, %ne3A_83 : vector<8x1x1xi32>
      %and3A = arith.andi %ne3A_80, %ne3A_84 : vector<8x1x1xi1>
      %sub3A_85 = arith.constant 1 : i32
      %sub3A_86 = vector.broadcast %sub3A_85 : i32 to vector<8x1x1xi32>
      %sub3A_87 = arith.subi %div3A_64, %sub3A_86 : vector<8x1x1xi32>
      %select_n3A_88 = arith.select %and3A, %sub3A_87, %div3A_64 : vector<8x1x1xi1>, vector<8x1x1xi32>
      %add3A_89 = arith.addi %scan3A_60, %select_n3A_88 : vector<8x1x1xi32>
      %jit3A_90 = arith.constant 2 : i32
      %div3A_91 = vector.broadcast %jit3A_90 : i32 to vector<8x1x1xi32>
      %div3A_92 = arith.divsi %sub3A_62, %div3A_91 : vector<8x1x1xi32>
      %sign3A_93 = arith.constant 0 : i32
      %sign3A_94 = vector.broadcast %sign3A_93 : i32 to vector<8x1x1xi32>
      %sign3A_95 = arith.cmpi sgt, %sub3A_62, %sign3A_94 : vector<8x1x1xi32>
      %sign3A_96 = arith.extui %sign3A_95 : vector<8x1x1xi1> to vector<8x1x1xi32>
      %sign3A_97 = arith.constant 0 : i32
      %sign3A_98 = vector.broadcast %sign3A_97 : i32 to vector<8x1x1xi32>
      %sign3A_99 = arith.cmpi slt, %sub3A_62, %sign3A_98 : vector<8x1x1xi32>
      %sign3A_100 = arith.extui %sign3A_99 : vector<8x1x1xi1> to vector<8x1x1xi32>
      %sign3A_101 = arith.subi %sign3A_96, %sign3A_100 : vector<8x1x1xi32>
      %sign3A_102 = arith.constant 0 : i32
      %sign3A_103 = arith.cmpi sgt, %jit3A_90, %sign3A_102 : i32
      %sign3A_104 = arith.extui %sign3A_103 : i1 to i32
      %sign3A_105 = arith.constant 0 : i32
      %sign3A_106 = arith.cmpi slt, %jit3A_90, %sign3A_105 : i32
      %sign3A_107 = arith.extui %sign3A_106 : i1 to i32
      %sign3A_108 = arith.subi %sign3A_104, %sign3A_107 : i32
      %ne3A_109 = vector.broadcast %sign3A_108 : i32 to vector<8x1x1xi32>
      %ne3A_110 = arith.cmpi ne, %sign3A_101, %ne3A_109 : vector<8x1x1xi32>
      %rem3A_111 = vector.broadcast %jit3A_90 : i32 to vector<8x1x1xi32>
      %rem3A_112 = arith.remsi %sub3A_62, %rem3A_111 : vector<8x1x1xi32>
      %ne3A_113 = arith.constant 0 : i32
      %ne3A_114 = vector.broadcast %ne3A_113 : i32 to vector<8x1x1xi32>
      %ne3A_115 = arith.cmpi ne, %rem3A_112, %ne3A_114 : vector<8x1x1xi32>
      %and3A_116 = arith.andi %ne3A_110, %ne3A_115 : vector<8x1x1xi1>
      %sub3A_117 = arith.constant 1 : i32
      %sub3A_118 = vector.broadcast %sub3A_117 : i32 to vector<8x1x1xi32>
      %sub3A_119 = arith.subi %div3A_92, %sub3A_118 : vector<8x1x1xi32>
      %select_n3A_120 = arith.select %and3A_116, %sub3A_119, %div3A_92 : vector<8x1x1xi1>, vector<8x1x1xi32>
      %add3A_121 = arith.addi %scan3A_60, %select_n3A_120 : vector<8x1x1xi32>
      %jit3A_122 = arith.constant 4 : i32
      %div3A_123 = vector.broadcast %jit3A_122 : i32 to vector<8x1x1xi32>
      %div3A_124 = arith.divsi %sub3A_62, %div3A_123 : vector<8x1x1xi32>
      %sign3A_125 = arith.constant 0 : i32
      %sign3A_126 = vector.broadcast %sign3A_125 : i32 to vector<8x1x1xi32>
      %sign3A_127 = arith.cmpi sgt, %sub3A_62, %sign3A_126 : vector<8x1x1xi32>
      %sign3A_128 = arith.extui %sign3A_127 : vector<8x1x1xi1> to vector<8x1x1xi32>
      %sign3A_129 = arith.constant 0 : i32
      %sign3A_130 = vector.broadcast %sign3A_129 : i32 to vector<8x1x1xi32>
      %sign3A_131 = arith.cmpi slt, %sub3A_62, %sign3A_130 : vector<8x1x1xi32>
      %sign3A_132 = arith.extui %sign3A_131 : vector<8x1x1xi1> to vector<8x1x1xi32>
      %sign3A_133 = arith.subi %sign3A_128, %sign3A_132 : vector<8x1x1xi32>
      %sign3A_134 = arith.constant 0 : i32
      %sign3A_135 = arith.cmpi sgt, %jit3A_122, %sign3A_134 : i32
      %sign3A_136 = arith.extui %sign3A_135 : i1 to i32
      %sign3A_137 = arith.constant 0 : i32
      %sign3A_138 = arith.cmpi slt, %jit3A_122, %sign3A_137 : i32
      %sign3A_139 = arith.extui %sign3A_138 : i1 to i32
      %sign3A_140 = arith.subi %sign3A_136, %sign3A_139 : i32
      %ne3A_141 = vector.broadcast %sign3A_140 : i32 to vector<8x1x1xi32>
      %ne3A_142 = arith.cmpi ne, %sign3A_133, %ne3A_141 : vector<8x1x1xi32>
      %rem3A_143 = vector.broadcast %jit3A_122 : i32 to vector<8x1x1xi32>
      %rem3A_144 = arith.remsi %sub3A_62, %rem3A_143 : vector<8x1x1xi32>
      %ne3A_145 = arith.constant 0 : i32
      %ne3A_146 = vector.broadcast %ne3A_145 : i32 to vector<8x1x1xi32>
      %ne3A_147 = arith.cmpi ne, %rem3A_144, %ne3A_146 : vector<8x1x1xi32>
      %and3A_148 = arith.andi %ne3A_142, %ne3A_147 : vector<8x1x1xi1>
      %sub3A_149 = arith.constant 1 : i32
      %sub3A_150 = vector.broadcast %sub3A_149 : i32 to vector<8x1x1xi32>
      %sub3A_151 = arith.subi %div3A_124, %sub3A_150 : vector<8x1x1xi32>
      %select_n3A_152 = arith.select %and3A_148, %sub3A_151, %div3A_124 : vector<8x1x1xi1>, vector<8x1x1xi32>
      %add3A_153 = arith.addi %add3A_121, %select_n3A_152 : vector<8x1x1xi32>
      %ge3A_154 = vector.broadcast %add3A_89 : vector<8x1x1xi32> to vector<8x8x2500xi32>
      %ge3A_155 = arith.cmpi sge, %select_n3A, %ge3A_154 : vector<8x8x2500xi32>
      %jit3A_156 = arith.constant 1.000000e+00 : f32
      %jit3A_157 = arith.constant 0.000000e+00 : f32
      %broadcast_in_dim3A_158 = vector.broadcast %jit3A_156 : f32 to vector<8x8x2500xf32>
      %broadcast_in_dim3A_159 = vector.broadcast %jit3A_157 : f32 to vector<8x8x2500xf32>
      %select_n3A_160 = arith.select %ge3A_155, %broadcast_in_dim3A_158, %broadcast_in_dim3A_159 : vector<8x8x2500xi1>, vector<8x8x2500xf32>
      %reduce_sum3A_161 = arith.constant dense<0.000000e+00> : vector<8xf32>
      %reduce_sum3A_162 = vector.multi_reduction <add>, %select_n3A_160, %reduce_sum3A_161 [1, 2] : vector<8x8x2500xf32> to vector<8xf32>
      %broadcast_in_dim3A_163 = vector.shape_cast %reduce_sum3A_162 : vector<8xf32> to vector<8x1x1xf32>
      %ge3A_164 = arith.constant 5.120000e+02 : f32
      %ge3A_165 = vector.broadcast %ge3A_164 : f32 to vector<8x1x1xf32>
      %ge3A_166 = arith.cmpf oge, %broadcast_in_dim3A_163, %ge3A_165 : vector<8x1x1xf32>
      %ge3A_167 = vector.broadcast %add3A_121 : vector<8x1x1xi32> to vector<8x8x2500xi32>
      %ge3A_168 = arith.cmpi sge, %select_n3A, %ge3A_167 : vector<8x8x2500xi32>
      %jit3A_169 = arith.constant 1.000000e+00 : f32
      %jit3A_170 = arith.constant 0.000000e+00 : f32
      %broadcast_in_dim3A_171 = vector.broadcast %jit3A_169 : f32 to vector<8x8x2500xf32>
      %broadcast_in_dim3A_172 = vector.broadcast %jit3A_170 : f32 to vector<8x8x2500xf32>
      %select_n3A_173 = arith.select %ge3A_168, %broadcast_in_dim3A_171, %broadcast_in_dim3A_172 : vector<8x8x2500xi1>, vector<8x8x2500xf32>
      %reduce_sum3A_174 = arith.constant dense<0.000000e+00> : vector<8xf32>
      %reduce_sum3A_175 = vector.multi_reduction <add>, %select_n3A_173, %reduce_sum3A_174 [1, 2] : vector<8x8x2500xf32> to vector<8xf32>
      %broadcast_in_dim3A_176 = vector.shape_cast %reduce_sum3A_175 : vector<8xf32> to vector<8x1x1xf32>
      %ge3A_177 = arith.constant 5.120000e+02 : f32
      %ge3A_178 = vector.broadcast %ge3A_177 : f32 to vector<8x1x1xf32>
      %ge3A_179 = arith.cmpf oge, %broadcast_in_dim3A_176, %ge3A_178 : vector<8x1x1xf32>
      %ge3A_180 = vector.broadcast %add3A_153 : vector<8x1x1xi32> to vector<8x8x2500xi32>
      %ge3A_181 = arith.cmpi sge, %select_n3A, %ge3A_180 : vector<8x8x2500xi32>
      %jit3A_182 = arith.constant 1.000000e+00 : f32
      %jit3A_183 = arith.constant 0.000000e+00 : f32
      %broadcast_in_dim3A_184 = vector.broadcast %jit3A_182 : f32 to vector<8x8x2500xf32>
      %broadcast_in_dim3A_185 = vector.broadcast %jit3A_183 : f32 to vector<8x8x2500xf32>
      %select_n3A_186 = arith.select %ge3A_181, %broadcast_in_dim3A_184, %broadcast_in_dim3A_185 : vector<8x8x2500xi1>, vector<8x8x2500xf32>
      %reduce_sum3A_187 = arith.constant dense<0.000000e+00> : vector<8xf32>
      %reduce_sum3A_188 = vector.multi_reduction <add>, %select_n3A_186, %reduce_sum3A_187 [1, 2] : vector<8x8x2500xf32> to vector<8xf32>
      %broadcast_in_dim3A_189 = vector.shape_cast %reduce_sum3A_188 : vector<8xf32> to vector<8x1x1xf32>
      %ge3A_190 = arith.constant 5.120000e+02 : f32
      %ge3A_191 = vector.broadcast %ge3A_190 : f32 to vector<8x1x1xf32>
      %ge3A_192 = arith.cmpf oge, %broadcast_in_dim3A_189, %ge3A_191 : vector<8x1x1xf32>
      %select_n3A_193 = arith.select %ge3A_166, %add3A_89, %scan3A_60 : vector<8x1x1xi1>, vector<8x1x1xi32>
      %select_n3A_194 = arith.select %ge3A_179, %add3A_121, %select_n3A_193 : vector<8x1x1xi1>, vector<8x1x1xi32>
      %select_n3A_195 = arith.select %ge3A_192, %add3A_153, %select_n3A_194 : vector<8x1x1xi1>, vector<8x1x1xi32>
      %select_n3A_196 = arith.select %ge3A_166, %add3A_121, %add3A_89 : vector<8x1x1xi1>, vector<8x1x1xi32>
      %select_n3A_197 = arith.select %ge3A_179, %add3A_153, %select_n3A_196 : vector<8x1x1xi1>, vector<8x1x1xi32>
      %select_n3A_198 = arith.select %ge3A_192, %scan3A_61, %select_n3A_197 : vector<8x1x1xi1>, vector<8x1x1xi32>
      scf.yield %select_n3A_195, %select_n3A_198 : vector<8x1x1xi32>, vector<8x1x1xi32>
    }
    %gt3A = vector.broadcast %scan3A_15#0 : vector<8x1x1xi32> to vector<8x8x2500xi32>
    %gt3A_16 = arith.cmpi sgt, %select_n3A, %gt3A : vector<8x8x2500xi32>
    %jit3A = arith.constant 1.000000e+00 : f32
    %jit3A_17 = arith.constant 0.000000e+00 : f32
    %broadcast_in_dim3A_18 = vector.broadcast %jit3A : f32 to vector<8x8x2500xf32>
    %broadcast_in_dim3A_19 = vector.broadcast %jit3A_17 : f32 to vector<8x8x2500xf32>
    %select_n3A_20 = arith.select %gt3A_16, %broadcast_in_dim3A_18, %broadcast_in_dim3A_19 : vector<8x8x2500xi1>, vector<8x8x2500xf32>
    %reduce_sum3A = arith.constant dense<0.000000e+00> : vector<8xf32>
    %reduce_sum3A_21 = vector.multi_reduction <add>, %select_n3A_20, %reduce_sum3A [1, 2] : vector<8x8x2500xf32> to vector<8xf32>
    %broadcast_in_dim3A_22 = vector.shape_cast %reduce_sum3A_21 : vector<8xf32> to vector<8x1x1xf32>
    %sub3A = arith.constant 5.120000e+02 : f32
    %sub3A_23 = vector.broadcast %sub3A : f32 to vector<8x1x1xf32>
    %sub3A_24 = arith.subf %sub3A_23, %broadcast_in_dim3A_22 : vector<8x1x1xf32>
    %iota3A = tpu.iota {dimensions = array<i32: 1>} : vector<8x8x2500xi32>
    %mul3A = arith.constant 2500 : i32
    %mul3A_25 = vector.broadcast %mul3A : i32 to vector<8x8x2500xi32>
    %mul3A_26 = arith.muli %iota3A, %mul3A_25 : vector<8x8x2500xi32>
    %iota3A_27 = tpu.iota {dimensions = array<i32: 2>} : vector<8x8x2500xi32>
    %add3A_28 = arith.addi %mul3A_26, %iota3A_27 : vector<8x8x2500xi32>
    %eq3A = vector.broadcast %scan3A_15#0 : vector<8x1x1xi32> to vector<8x8x2500xi32>
    %eq3A_29 = arith.cmpi eq, %select_n3A, %eq3A : vector<8x8x2500xi32>
    %broadcast_in_dim3A_30 = arith.constant 0 : i32
    %broadcast_in_dim3A_31 = vector.broadcast %broadcast_in_dim3A_30 : i32 to vector<8x1x1xi32>
    %add3A_32 = arith.constant 20000 : i32
    %add3A_33 = vector.broadcast %add3A_32 : i32 to vector<8x1x1xi32>
    %add3A_34 = arith.addi %broadcast_in_dim3A_31, %add3A_33 : vector<8x1x1xi32>
    %scan3A_35 = arith.constant 0 : i32
    %scan3A_36 = arith.constant 8 : i32
    %scan3A_37 = arith.addi %scan3A_35, %scan3A_36 : i32
    %scan3A_38 = arith.constant 1 : i32
    %scan3A_39:2 = scf.for %scan3A_59 = %scan3A_35 to %scan3A_37 step %scan3A_38 iter_args(%scan3A_60 = %broadcast_in_dim3A_31, %scan3A_61 = %add3A_34) -> (vector<8x1x1xi32>, vector<8x1x1xi32>)  : i32 {
      %sub3A_62 = arith.subi %scan3A_61, %scan3A_60 : vector<8x1x1xi32>
      %jit3A_63 = arith.constant 4 : i32
      %div3A = vector.broadcast %jit3A_63 : i32 to vector<8x1x1xi32>
      %div3A_64 = arith.divsi %sub3A_62, %div3A : vector<8x1x1xi32>
      %sign3A = arith.constant 0 : i32
      %sign3A_65 = vector.broadcast %sign3A : i32 to vector<8x1x1xi32>
      %sign3A_66 = arith.cmpi sgt, %sub3A_62, %sign3A_65 : vector<8x1x1xi32>
      %sign3A_67 = arith.extui %sign3A_66 : vector<8x1x1xi1> to vector<8x1x1xi32>
      %sign3A_68 = arith.constant 0 : i32
      %sign3A_69 = vector.broadcast %sign3A_68 : i32 to vector<8x1x1xi32>
      %sign3A_70 = arith.cmpi slt, %sub3A_62, %sign3A_69 : vector<8x1x1xi32>
      %sign3A_71 = arith.extui %sign3A_70 : vector<8x1x1xi1> to vector<8x1x1xi32>
      %sign3A_72 = arith.subi %sign3A_67, %sign3A_71 : vector<8x1x1xi32>
      %sign3A_73 = arith.constant 0 : i32
      %sign3A_74 = arith.cmpi sgt, %jit3A_63, %sign3A_73 : i32
      %sign3A_75 = arith.extui %sign3A_74 : i1 to i32
      %sign3A_76 = arith.constant 0 : i32
      %sign3A_77 = arith.cmpi slt, %jit3A_63, %sign3A_76 : i32
      %sign3A_78 = arith.extui %sign3A_77 : i1 to i32
      %sign3A_79 = arith.subi %sign3A_75, %sign3A_78 : i32
      %ne3A = vector.broadcast %sign3A_79 : i32 to vector<8x1x1xi32>
      %ne3A_80 = arith.cmpi ne, %sign3A_72, %ne3A : vector<8x1x1xi32>
      %rem3A = vector.broadcast %jit3A_63 : i32 to vector<8x1x1xi32>
      %rem3A_81 = arith.remsi %sub3A_62, %rem3A : vector<8x1x1xi32>
      %ne3A_82 = arith.constant 0 : i32
      %ne3A_83 = vector.broadcast %ne3A_82 : i32 to vector<8x1x1xi32>
      %ne3A_84 = arith.cmpi ne, %rem3A_81, %ne3A_83 : vector<8x1x1xi32>
      %and3A = arith.andi %ne3A_80, %ne3A_84 : vector<8x1x1xi1>
      %sub3A_85 = arith.constant 1 : i32
      %sub3A_86 = vector.broadcast %sub3A_85 : i32 to vector<8x1x1xi32>
      %sub3A_87 = arith.subi %div3A_64, %sub3A_86 : vector<8x1x1xi32>
      %select_n3A_88 = arith.select %and3A, %sub3A_87, %div3A_64 : vector<8x1x1xi1>, vector<8x1x1xi32>
      %add3A_89 = arith.addi %scan3A_60, %select_n3A_88 : vector<8x1x1xi32>
      %jit3A_90 = arith.constant 2 : i32
      %div3A_91 = vector.broadcast %jit3A_90 : i32 to vector<8x1x1xi32>
      %div3A_92 = arith.divsi %sub3A_62, %div3A_91 : vector<8x1x1xi32>
      %sign3A_93 = arith.constant 0 : i32
      %sign3A_94 = vector.broadcast %sign3A_93 : i32 to vector<8x1x1xi32>
      %sign3A_95 = arith.cmpi sgt, %sub3A_62, %sign3A_94 : vector<8x1x1xi32>
      %sign3A_96 = arith.extui %sign3A_95 : vector<8x1x1xi1> to vector<8x1x1xi32>
      %sign3A_97 = arith.constant 0 : i32
      %sign3A_98 = vector.broadcast %sign3A_97 : i32 to vector<8x1x1xi32>
      %sign3A_99 = arith.cmpi slt, %sub3A_62, %sign3A_98 : vector<8x1x1xi32>
      %sign3A_100 = arith.extui %sign3A_99 : vector<8x1x1xi1> to vector<8x1x1xi32>
      %sign3A_101 = arith.subi %sign3A_96, %sign3A_100 : vector<8x1x1xi32>
      %sign3A_102 = arith.constant 0 : i32
      %sign3A_103 = arith.cmpi sgt, %jit3A_90, %sign3A_102 : i32
      %sign3A_104 = arith.extui %sign3A_103 : i1 to i32
      %sign3A_105 = arith.constant 0 : i32
      %sign3A_106 = arith.cmpi slt, %jit3A_90, %sign3A_105 : i32
      %sign3A_107 = arith.extui %sign3A_106 : i1 to i32
      %sign3A_108 = arith.subi %sign3A_104, %sign3A_107 : i32
      %ne3A_109 = vector.broadcast %sign3A_108 : i32 to vector<8x1x1xi32>
      %ne3A_110 = arith.cmpi ne, %sign3A_101, %ne3A_109 : vector<8x1x1xi32>
      %rem3A_111 = vector.broadcast %jit3A_90 : i32 to vector<8x1x1xi32>
      %rem3A_112 = arith.remsi %sub3A_62, %rem3A_111 : vector<8x1x1xi32>
      %ne3A_113 = arith.constant 0 : i32
      %ne3A_114 = vector.broadcast %ne3A_113 : i32 to vector<8x1x1xi32>
      %ne3A_115 = arith.cmpi ne, %rem3A_112, %ne3A_114 : vector<8x1x1xi32>
      %and3A_116 = arith.andi %ne3A_110, %ne3A_115 : vector<8x1x1xi1>
      %sub3A_117 = arith.constant 1 : i32
      %sub3A_118 = vector.broadcast %sub3A_117 : i32 to vector<8x1x1xi32>
      %sub3A_119 = arith.subi %div3A_92, %sub3A_118 : vector<8x1x1xi32>
      %select_n3A_120 = arith.select %and3A_116, %sub3A_119, %div3A_92 : vector<8x1x1xi1>, vector<8x1x1xi32>
      %add3A_121 = arith.addi %scan3A_60, %select_n3A_120 : vector<8x1x1xi32>
      %jit3A_122 = arith.constant 4 : i32
      %div3A_123 = vector.broadcast %jit3A_122 : i32 to vector<8x1x1xi32>
      %div3A_124 = arith.divsi %sub3A_62, %div3A_123 : vector<8x1x1xi32>
      %sign3A_125 = arith.constant 0 : i32
      %sign3A_126 = vector.broadcast %sign3A_125 : i32 to vector<8x1x1xi32>
      %sign3A_127 = arith.cmpi sgt, %sub3A_62, %sign3A_126 : vector<8x1x1xi32>
      %sign3A_128 = arith.extui %sign3A_127 : vector<8x1x1xi1> to vector<8x1x1xi32>
      %sign3A_129 = arith.constant 0 : i32
      %sign3A_130 = vector.broadcast %sign3A_129 : i32 to vector<8x1x1xi32>
      %sign3A_131 = arith.cmpi slt, %sub3A_62, %sign3A_130 : vector<8x1x1xi32>
      %sign3A_132 = arith.extui %sign3A_131 : vector<8x1x1xi1> to vector<8x1x1xi32>
      %sign3A_133 = arith.subi %sign3A_128, %sign3A_132 : vector<8x1x1xi32>
      %sign3A_134 = arith.constant 0 : i32
      %sign3A_135 = arith.cmpi sgt, %jit3A_122, %sign3A_134 : i32
      %sign3A_136 = arith.extui %sign3A_135 : i1 to i32
      %sign3A_137 = arith.constant 0 : i32
      %sign3A_138 = arith.cmpi slt, %jit3A_122, %sign3A_137 : i32
      %sign3A_139 = arith.extui %sign3A_138 : i1 to i32
      %sign3A_140 = arith.subi %sign3A_136, %sign3A_139 : i32
      %ne3A_141 = vector.broadcast %sign3A_140 : i32 to vector<8x1x1xi32>
      %ne3A_142 = arith.cmpi ne, %sign3A_133, %ne3A_141 : vector<8x1x1xi32>
      %rem3A_143 = vector.broadcast %jit3A_122 : i32 to vector<8x1x1xi32>
      %rem3A_144 = arith.remsi %sub3A_62, %rem3A_143 : vector<8x1x1xi32>
      %ne3A_145 = arith.constant 0 : i32
      %ne3A_146 = vector.broadcast %ne3A_145 : i32 to vector<8x1x1xi32>
      %ne3A_147 = arith.cmpi ne, %rem3A_144, %ne3A_146 : vector<8x1x1xi32>
      %and3A_148 = arith.andi %ne3A_142, %ne3A_147 : vector<8x1x1xi1>
      %sub3A_149 = arith.constant 1 : i32
      %sub3A_150 = vector.broadcast %sub3A_149 : i32 to vector<8x1x1xi32>
      %sub3A_151 = arith.subi %div3A_124, %sub3A_150 : vector<8x1x1xi32>
      %select_n3A_152 = arith.select %and3A_148, %sub3A_151, %div3A_124 : vector<8x1x1xi1>, vector<8x1x1xi32>
      %add3A_153 = arith.addi %add3A_121, %select_n3A_152 : vector<8x1x1xi32>
      %lt3A = vector.broadcast %add3A_89 : vector<8x1x1xi32> to vector<8x8x2500xi32>
      %lt3A_154 = arith.cmpi slt, %add3A_28, %lt3A : vector<8x8x2500xi32>
      %and3A_155 = arith.andi %eq3A_29, %lt3A_154 : vector<8x8x2500xi1>
      %jit3A_156 = arith.constant 1.000000e+00 : f32
      %jit3A_157 = arith.constant 0.000000e+00 : f32
      %broadcast_in_dim3A_158 = vector.broadcast %jit3A_156 : f32 to vector<8x8x2500xf32>
      %broadcast_in_dim3A_159 = vector.broadcast %jit3A_157 : f32 to vector<8x8x2500xf32>
      %select_n3A_160 = arith.select %and3A_155, %broadcast_in_dim3A_158, %broadcast_in_dim3A_159 : vector<8x8x2500xi1>, vector<8x8x2500xf32>
      %reduce_sum3A_161 = arith.constant dense<0.000000e+00> : vector<8xf32>
      %reduce_sum3A_162 = vector.multi_reduction <add>, %select_n3A_160, %reduce_sum3A_161 [1, 2] : vector<8x8x2500xf32> to vector<8xf32>
      %broadcast_in_dim3A_163 = vector.shape_cast %reduce_sum3A_162 : vector<8xf32> to vector<8x1x1xf32>
      %ge3A_164 = arith.cmpf oge, %broadcast_in_dim3A_163, %sub3A_24 : vector<8x1x1xf32>
      %lt3A_165 = vector.broadcast %add3A_121 : vector<8x1x1xi32> to vector<8x8x2500xi32>
      %lt3A_166 = arith.cmpi slt, %add3A_28, %lt3A_165 : vector<8x8x2500xi32>
      %and3A_167 = arith.andi %eq3A_29, %lt3A_166 : vector<8x8x2500xi1>
      %jit3A_168 = arith.constant 1.000000e+00 : f32
      %jit3A_169 = arith.constant 0.000000e+00 : f32
      %broadcast_in_dim3A_170 = vector.broadcast %jit3A_168 : f32 to vector<8x8x2500xf32>
      %broadcast_in_dim3A_171 = vector.broadcast %jit3A_169 : f32 to vector<8x8x2500xf32>
      %select_n3A_172 = arith.select %and3A_167, %broadcast_in_dim3A_170, %broadcast_in_dim3A_171 : vector<8x8x2500xi1>, vector<8x8x2500xf32>
      %reduce_sum3A_173 = arith.constant dense<0.000000e+00> : vector<8xf32>
      %reduce_sum3A_174 = vector.multi_reduction <add>, %select_n3A_172, %reduce_sum3A_173 [1, 2] : vector<8x8x2500xf32> to vector<8xf32>
      %broadcast_in_dim3A_175 = vector.shape_cast %reduce_sum3A_174 : vector<8xf32> to vector<8x1x1xf32>
      %ge3A_176 = arith.cmpf oge, %broadcast_in_dim3A_175, %sub3A_24 : vector<8x1x1xf32>
      %lt3A_177 = vector.broadcast %add3A_153 : vector<8x1x1xi32> to vector<8x8x2500xi32>
      %lt3A_178 = arith.cmpi slt, %add3A_28, %lt3A_177 : vector<8x8x2500xi32>
      %and3A_179 = arith.andi %eq3A_29, %lt3A_178 : vector<8x8x2500xi1>
      %jit3A_180 = arith.constant 1.000000e+00 : f32
      %jit3A_181 = arith.constant 0.000000e+00 : f32
      %broadcast_in_dim3A_182 = vector.broadcast %jit3A_180 : f32 to vector<8x8x2500xf32>
      %broadcast_in_dim3A_183 = vector.broadcast %jit3A_181 : f32 to vector<8x8x2500xf32>
      %select_n3A_184 = arith.select %and3A_179, %broadcast_in_dim3A_182, %broadcast_in_dim3A_183 : vector<8x8x2500xi1>, vector<8x8x2500xf32>
      %reduce_sum3A_185 = arith.constant dense<0.000000e+00> : vector<8xf32>
      %reduce_sum3A_186 = vector.multi_reduction <add>, %select_n3A_184, %reduce_sum3A_185 [1, 2] : vector<8x8x2500xf32> to vector<8xf32>
      %broadcast_in_dim3A_187 = vector.shape_cast %reduce_sum3A_186 : vector<8xf32> to vector<8x1x1xf32>
      %ge3A_188 = arith.cmpf oge, %broadcast_in_dim3A_187, %sub3A_24 : vector<8x1x1xf32>
      %select_n3A_189 = arith.select %ge3A_188, %add3A_121, %add3A_153 : vector<8x1x1xi1>, vector<8x1x1xi32>
      %select_n3A_190 = arith.select %ge3A_176, %add3A_89, %select_n3A_189 : vector<8x1x1xi1>, vector<8x1x1xi32>
      %select_n3A_191 = arith.select %ge3A_164, %scan3A_60, %select_n3A_190 : vector<8x1x1xi1>, vector<8x1x1xi32>
      %select_n3A_192 = arith.select %ge3A_188, %add3A_153, %scan3A_61 : vector<8x1x1xi1>, vector<8x1x1xi32>
      %select_n3A_193 = arith.select %ge3A_176, %add3A_121, %select_n3A_192 : vector<8x1x1xi1>, vector<8x1x1xi32>
      %select_n3A_194 = arith.select %ge3A_164, %add3A_89, %select_n3A_193 : vector<8x1x1xi1>, vector<8x1x1xi32>
      scf.yield %select_n3A_191, %select_n3A_194 : vector<8x1x1xi32>, vector<8x1x1xi32>
    }
    %ge3A_40 = arith.constant 0 : i32
    %ge3A_41 = vector.broadcast %ge3A_40 : i32 to vector<8x1x1xi32>
    %ge3A_42 = arith.cmpi sge, %scan3A_15#0, %ge3A_41 : vector<8x1x1xi32>
    %xor3A_43 = arith.constant 2147483647 : i32
    %xor3A_44 = vector.broadcast %xor3A_43 : i32 to vector<8x1x1xi32>
    %xor3A_45 = arith.xori %scan3A_15#0, %xor3A_44 : vector<8x1x1xi32>
    %select_n3A_46 = arith.select %ge3A_42, %scan3A_15#0, %xor3A_45 : vector<8x1x1xi1>, vector<8x1x1xi32>
    %bitcast_convert_type3A_47 = tpu.bitcast %select_n3A_46 : vector<8x1x1xi32> -> vector<8x1x1xf32>
    %broadcast_in_dim3A_48 = vector.shape_cast %bitcast_convert_type3A_47 : vector<8x1x1xf32> to vector<8x1x1xf32>
    %broadcast_in_dim3A_49 = vector.broadcast %broadcast_in_dim3A_48 : vector<8x1x1xf32> to vector<8x1x16xf32>
    %swap3A = arith.constant 0 : index
    %swap3A_50 = arith.constant 0 : index
    %swap3A_51 = arith.constant 0 : index
    %swap3A_52 = vector.load %arg1[%swap3A, %swap3A_50, %swap3A_51] : memref<8x1x16xf32, #tpu.memory_space<vmem>>, vector<8x1x16xf32>
    tpu.vector_store %arg1[%swap3A, %swap3A_50, %swap3A_51], %broadcast_in_dim3A_49 {strides = array<i32>} : memref<8x1x16xf32, #tpu.memory_space<vmem>>, vector<8x1x16xf32>,
    %broadcast_in_dim3A_53 = vector.shape_cast %scan3A_39#1 : vector<8x1x1xi32> to vector<8x1x1xi32>
    %broadcast_in_dim3A_54 = vector.broadcast %broadcast_in_dim3A_53 : vector<8x1x1xi32> to vector<8x1x16xi32>
    %swap3A_55 = arith.constant 0 : index
    %swap3A_56 = arith.constant 0 : index
    %swap3A_57 = arith.constant 0 : index
    %swap3A_58 = vector.load %arg2[%swap3A_55, %swap3A_56, %swap3A_57] : memref<8x1x16xi32, #tpu.memory_space<vmem>>, vector<8x1x16xi32>
    tpu.vector_store %arg2[%swap3A_55, %swap3A_56, %swap3A_57], %broadcast_in_dim3A_54 {strides = array<i32>} : memref<8x1x16xi32, #tpu.memory_space<vmem>>, vector<8x1x16xi32>,
    return
  }
}

module attributes {stable_mosaic.version = 14 : i64} {
  func.func @_k3_body(%arg0: memref<8x512xf32, #tpu.memory_space<vmem>>, %arg1: memref<8x512xi32, #tpu.memory_space<vmem>>, %arg2: memref<8x4x512xf32, #tpu.memory_space<vmem>>, %arg3: memref<8x1xi32, #tpu.memory_space<vmem>>, %arg4: memref<8x4x128xf32, #tpu.memory_space<vmem>>, %arg5: memref<8x128xf32, #tpu.memory_space<vmem>>, %arg6: memref<8x128xi32, #tpu.memory_space<vmem>>) attributes {dimension_semantics = [], scalar_prefetch = 0 : i64, scratch_operands = 0 : i64, tpu.core_type = #tpu.core_type<tc>} {
    %get3A = arith.constant 0 : index
    %get3A_0 = arith.constant 0 : index
    %get3A_1 = vector.load %arg0[%get3A, %get3A_0] : memref<8x512xf32, #tpu.memory_space<vmem>>, vector<8x512xf32>
    %get3A_2 = arith.constant 0 : index
    %get3A_3 = arith.constant 0 : index
    %get3A_4 = vector.load %arg1[%get3A_2, %get3A_3] : memref<8x512xi32, #tpu.memory_space<vmem>>, vector<8x512xi32>
    %convert_element_type3A = arith.sitofp %get3A_4 : vector<8x512xi32> to vector<8x512xf32>
    %get3A_5 = arith.constant 0 : index
    %get3A_6 = arith.constant 0 : index
    %get3A_7 = arith.constant 0 : index
    %get3A_8 = vector.load %arg2[%get3A_5, %get3A_6, %get3A_7] : memref<8x4x512xf32, #tpu.memory_space<vmem>>, vector<8x1x512xf32>
    %get3A_9 = vector.shape_cast %get3A_8 : vector<8x1x512xf32> to vector<8x512xf32>
    %get3A_10 = arith.constant 0 : index
    %get3A_11 = arith.constant 1 : index
    %get3A_12 = arith.constant 0 : index
    %get3A_13 = vector.load %arg2[%get3A_10, %get3A_11, %get3A_12] : memref<8x4x512xf32, #tpu.memory_space<vmem>>, vector<8x1x512xf32>
    %get3A_14 = vector.shape_cast %get3A_13 : vector<8x1x512xf32> to vector<8x512xf32>
    %get3A_15 = arith.constant 0 : index
    %get3A_16 = arith.constant 2 : index
    %get3A_17 = arith.constant 0 : index
    %get3A_18 = vector.load %arg2[%get3A_15, %get3A_16, %get3A_17] : memref<8x4x512xf32, #tpu.memory_space<vmem>>, vector<8x1x512xf32>
    %get3A_19 = vector.shape_cast %get3A_18 : vector<8x1x512xf32> to vector<8x512xf32>
    %get3A_20 = arith.constant 0 : index
    %get3A_21 = arith.constant 3 : index
    %get3A_22 = arith.constant 0 : index
    %get3A_23 = vector.load %arg2[%get3A_20, %get3A_21, %get3A_22] : memref<8x4x512xf32, #tpu.memory_space<vmem>>, vector<8x1x512xf32>
    %get3A_24 = vector.shape_cast %get3A_23 : vector<8x1x512xf32> to vector<8x512xf32>
    %sub3A = arith.subf %get3A_19, %get3A_9 : vector<8x512xf32>
    %jit3A = arith.constant 0.000000e+00 : f32
    %max3A = vector.broadcast %jit3A : f32 to vector<8x512xf32>
    %max3A_25 = arith.maximumf %max3A, %sub3A : vector<8x512xf32>
    %sub3A_26 = arith.subf %get3A_24, %get3A_14 : vector<8x512xf32>
    %jit3A_27 = arith.constant 0.000000e+00 : f32
    %max3A_28 = vector.broadcast %jit3A_27 : f32 to vector<8x512xf32>
    %max3A_29 = arith.maximumf %max3A_28, %sub3A_26 : vector<8x512xf32>
    %mul3A = arith.mulf %max3A_25, %max3A_29 : vector<8x512xf32>
    %gt3A = arith.constant 2.500000e-01 : f32
    %gt3A_30 = vector.broadcast %gt3A : f32 to vector<8x512xf32>
    %gt3A_31 = arith.cmpf ogt, %get3A_1, %gt3A_30 : vector<8x512xf32>
    %jit3A_32 = arith.constant -1.000000e+00 : f32
    %broadcast_in_dim3A = vector.broadcast %jit3A_32 : f32 to vector<8x512xf32>
    %select_n3A = arith.select %gt3A_31, %get3A_1, %broadcast_in_dim3A : vector<8x512xi1>, vector<8x512xf32>
    %iota3A = tpu.iota {dimensions = array<i32: 1>} : vector<8x512xi32>
    %iota3A_33 = tpu.iota {dimensions = array<i32: 1>} : vector<8x128xi32>
    %broadcast_in_dim3A_34 = arith.constant 0.000000e+00 : f32
    %broadcast_in_dim3A_35 = vector.broadcast %broadcast_in_dim3A_34 : f32 to vector<8x128xf32>
    %broadcast_in_dim3A_36 = arith.constant 0 : i32
    %broadcast_in_dim3A_37 = vector.broadcast %broadcast_in_dim3A_36 : i32 to vector<8x1xi32>
    %sub3A_38 = arith.constant 1.000000e+00 : f32
    %sub3A_39 = vector.broadcast %sub3A_38 : f32 to vector<8x128xf32>
    %sub3A_40 = arith.subf %broadcast_in_dim3A_35, %sub3A_39 : vector<8x128xf32>
    %scan3A = arith.constant 0 : i32
    %scan3A_41 = arith.constant 100 : i32
    %scan3A_42 = arith.addi %scan3A, %scan3A_41 : i32
    %scan3A_43 = arith.constant 1 : i32
    %scan3A_44:8 = scf.for %scan3A_63 = %scan3A to %scan3A_42 step %scan3A_43 iter_args(%scan3A_64 = %select_n3A, %scan3A_65 = %broadcast_in_dim3A_37, %scan3A_66 = %broadcast_in_dim3A_35, %scan3A_67 = %broadcast_in_dim3A_35, %scan3A_68 = %broadcast_in_dim3A_35, %scan3A_69 = %broadcast_in_dim3A_35, %scan3A_70 = %broadcast_in_dim3A_35, %scan3A_71 = %sub3A_40) -> (vector<8x512xf32>, vector<8x1xi32>, vector<8x128xf32>, vector<8x128xf32>, vector<8x128xf32>, vector<8x128xf32>, vector<8x128xf32>, vector<8x128xf32>)  : i32 {
      %reduce_max3A = arith.constant dense<0xFF800000> : vector<8xf32>
      %reduce_max3A_72 = vector.multi_reduction <maximumf>, %scan3A_64, %reduce_max3A [1] : vector<8x512xf32> to vector<8xf32>
      %broadcast_in_dim3A_73 = vector.shape_cast %reduce_max3A_72 : vector<8xf32> to vector<8x1xf32>
      %eq3A = vector.broadcast %broadcast_in_dim3A_73 : vector<8x1xf32> to vector<8x512xf32>
      %eq3A_74 = arith.cmpf oeq, %scan3A_64, %eq3A : vector<8x512xf32>
      %jit3A_75 = arith.constant 512 : i32
      %broadcast_in_dim3A_76 = vector.broadcast %jit3A_75 : i32 to vector<8x512xi32>
      %select_n3A_77 = arith.select %eq3A_74, %iota3A, %broadcast_in_dim3A_76 : vector<8x512xi1>, vector<8x512xi32>
      %reduce_min3A = arith.constant dense<2147483647> : vector<8xi32>
      %reduce_min3A_78 = vector.multi_reduction <minsi>, %select_n3A_77, %reduce_min3A [1] : vector<8x512xi32> to vector<8xi32>
      %broadcast_in_dim3A_79 = vector.shape_cast %reduce_min3A_78 : vector<8xi32> to vector<8x1xi32>
      %eq3A_80 = vector.broadcast %broadcast_in_dim3A_79 : vector<8x1xi32> to vector<8x512xi32>
      %eq3A_81 = arith.cmpi eq, %iota3A, %eq3A_80 : vector<8x512xi32>
      %jit3A_82 = arith.constant 0.000000e+00 : f32
      %broadcast_in_dim3A_83 = vector.broadcast %jit3A_82 : f32 to vector<8x512xf32>
      %select_n3A_84 = arith.select %eq3A_81, %get3A_9, %broadcast_in_dim3A_83 : vector<8x512xi1>, vector<8x512xf32>
      %reduce_sum3A = arith.constant dense<0.000000e+00> : vector<8xf32>
      %reduce_sum3A_85 = vector.multi_reduction <add>, %select_n3A_84, %reduce_sum3A [1] : vector<8x512xf32> to vector<8xf32>
      %broadcast_in_dim3A_86 = vector.shape_cast %reduce_sum3A_85 : vector<8xf32> to vector<8x1xf32>
      %jit3A_87 = arith.constant 0.000000e+00 : f32
      %broadcast_in_dim3A_88 = vector.broadcast %jit3A_87 : f32 to vector<8x512xf32>
      %select_n3A_89 = arith.select %eq3A_81, %get3A_14, %broadcast_in_dim3A_88 : vector<8x512xi1>, vector<8x512xf32>
      %reduce_sum3A_90 = arith.constant dense<0.000000e+00> : vector<8xf32>
      %reduce_sum3A_91 = vector.multi_reduction <add>, %select_n3A_89, %reduce_sum3A_90 [1] : vector<8x512xf32> to vector<8xf32>
      %broadcast_in_dim3A_92 = vector.shape_cast %reduce_sum3A_91 : vector<8xf32> to vector<8x1xf32>
      %jit3A_93 = arith.constant 0.000000e+00 : f32
      %broadcast_in_dim3A_94 = vector.broadcast %jit3A_93 : f32 to vector<8x512xf32>
      %select_n3A_95 = arith.select %eq3A_81, %get3A_19, %broadcast_in_dim3A_94 : vector<8x512xi1>, vector<8x512xf32>
      %reduce_sum3A_96 = arith.constant dense<0.000000e+00> : vector<8xf32>
      %reduce_sum3A_97 = vector.multi_reduction <add>, %select_n3A_95, %reduce_sum3A_96 [1] : vector<8x512xf32> to vector<8xf32>
      %broadcast_in_dim3A_98 = vector.shape_cast %reduce_sum3A_97 : vector<8xf32> to vector<8x1xf32>
      %jit3A_99 = arith.constant 0.000000e+00 : f32
      %broadcast_in_dim3A_100 = vector.broadcast %jit3A_99 : f32 to vector<8x512xf32>
      %select_n3A_101 = arith.select %eq3A_81, %get3A_24, %broadcast_in_dim3A_100 : vector<8x512xi1>, vector<8x512xf32>
      %reduce_sum3A_102 = arith.constant dense<0.000000e+00> : vector<8xf32>
      %reduce_sum3A_103 = vector.multi_reduction <add>, %select_n3A_101, %reduce_sum3A_102 [1] : vector<8x512xf32> to vector<8xf32>
      %broadcast_in_dim3A_104 = vector.shape_cast %reduce_sum3A_103 : vector<8xf32> to vector<8x1xf32>
      %jit3A_105 = arith.constant 0.000000e+00 : f32
      %broadcast_in_dim3A_106 = vector.broadcast %jit3A_105 : f32 to vector<8x512xf32>
      %select_n3A_107 = arith.select %eq3A_81, %convert_element_type3A, %broadcast_in_dim3A_106 : vector<8x512xi1>, vector<8x512xf32>
      %reduce_sum3A_108 = arith.constant dense<0.000000e+00> : vector<8xf32>
      %reduce_sum3A_109 = vector.multi_reduction <add>, %select_n3A_107, %reduce_sum3A_108 [1] : vector<8x512xf32> to vector<8xf32>
      %broadcast_in_dim3A_110 = vector.shape_cast %reduce_sum3A_109 : vector<8xf32> to vector<8x1xf32>
      %gt3A_111 = arith.constant 2.500000e-01 : f32
      %gt3A_112 = vector.broadcast %gt3A_111 : f32 to vector<8x1xf32>
      %gt3A_113 = arith.cmpf ogt, %broadcast_in_dim3A_73, %gt3A_112 : vector<8x1xf32>
      %eq3A_114 = vector.broadcast %scan3A_63 : i32 to vector<8x128xi32>
      %eq3A_115 = arith.cmpi eq, %iota3A_33, %eq3A_114 : vector<8x128xi32>
      %and3A = vector.broadcast %gt3A_113 : vector<8x1xi1> to vector<8x128xi1>
      %and3A_116 = arith.andi %eq3A_115, %and3A : vector<8x128xi1>
      %broadcast_in_dim3A_117 = vector.shape_cast %broadcast_in_dim3A_86 : vector<8x1xf32> to vector<8x1xf32>
      %broadcast_in_dim3A_118 = vector.broadcast %broadcast_in_dim3A_117 : vector<8x1xf32> to vector<8x128xf32>
      %select_n3A_119 = arith.select %and3A_116, %broadcast_in_dim3A_118, %scan3A_66 : vector<8x128xi1>, vector<8x128xf32>
      %broadcast_in_dim3A_120 = vector.shape_cast %broadcast_in_dim3A_92 : vector<8x1xf32> to vector<8x1xf32>
      %broadcast_in_dim3A_121 = vector.broadcast %broadcast_in_dim3A_120 : vector<8x1xf32> to vector<8x128xf32>
      %select_n3A_122 = arith.select %and3A_116, %broadcast_in_dim3A_121, %scan3A_67 : vector<8x128xi1>, vector<8x128xf32>
      %broadcast_in_dim3A_123 = vector.shape_cast %broadcast_in_dim3A_98 : vector<8x1xf32> to vector<8x1xf32>
      %broadcast_in_dim3A_124 = vector.broadcast %broadcast_in_dim3A_123 : vector<8x1xf32> to vector<8x128xf32>
      %select_n3A_125 = arith.select %and3A_116, %broadcast_in_dim3A_124, %scan3A_68 : vector<8x128xi1>, vector<8x128xf32>
      %broadcast_in_dim3A_126 = vector.shape_cast %broadcast_in_dim3A_104 : vector<8x1xf32> to vector<8x1xf32>
      %broadcast_in_dim3A_127 = vector.broadcast %broadcast_in_dim3A_126 : vector<8x1xf32> to vector<8x128xf32>
      %select_n3A_128 = arith.select %and3A_116, %broadcast_in_dim3A_127, %scan3A_69 : vector<8x128xi1>, vector<8x128xf32>
      %broadcast_in_dim3A_129 = vector.shape_cast %broadcast_in_dim3A_73 : vector<8x1xf32> to vector<8x1xf32>
      %broadcast_in_dim3A_130 = vector.broadcast %broadcast_in_dim3A_129 : vector<8x1xf32> to vector<8x128xf32>
      %select_n3A_131 = arith.select %and3A_116, %broadcast_in_dim3A_130, %scan3A_70 : vector<8x128xi1>, vector<8x128xf32>
      %broadcast_in_dim3A_132 = vector.shape_cast %broadcast_in_dim3A_110 : vector<8x1xf32> to vector<8x1xf32>
      %broadcast_in_dim3A_133 = vector.broadcast %broadcast_in_dim3A_132 : vector<8x1xf32> to vector<8x128xf32>
      %select_n3A_134 = arith.select %and3A_116, %broadcast_in_dim3A_133, %scan3A_71 : vector<8x128xi1>, vector<8x128xf32>
      %convert_element_type3A_135 = arith.extui %gt3A_113 : vector<8x1xi1> to vector<8x1xi32>
      %add3A = arith.addi %scan3A_65, %convert_element_type3A_135 : vector<8x1xi32>
      %max3A_136 = vector.broadcast %broadcast_in_dim3A_86 : vector<8x1xf32> to vector<8x512xf32>
      %max3A_137 = arith.maximumf %max3A_136, %get3A_9 : vector<8x512xf32>
      %max3A_138 = vector.broadcast %broadcast_in_dim3A_92 : vector<8x1xf32> to vector<8x512xf32>
      %max3A_139 = arith.maximumf %max3A_138, %get3A_14 : vector<8x512xf32>
      %min3A = vector.broadcast %broadcast_in_dim3A_98 : vector<8x1xf32> to vector<8x512xf32>
      %min3A_140 = arith.minimumf %min3A, %get3A_19 : vector<8x512xf32>
      %min3A_141 = vector.broadcast %broadcast_in_dim3A_104 : vector<8x1xf32> to vector<8x512xf32>
      %min3A_142 = arith.minimumf %min3A_141, %get3A_24 : vector<8x512xf32>
      %sub3A_143 = arith.subf %min3A_140, %max3A_137 : vector<8x512xf32>
      %jit3A_144 = arith.constant 0.000000e+00 : f32
      %max3A_145 = vector.broadcast %jit3A_144 : f32 to vector<8x512xf32>
      %max3A_146 = arith.maximumf %max3A_145, %sub3A_143 : vector<8x512xf32>
      %sub3A_147 = arith.subf %min3A_142, %max3A_139 : vector<8x512xf32>
      %jit3A_148 = arith.constant 0.000000e+00 : f32
      %max3A_149 = vector.broadcast %jit3A_148 : f32 to vector<8x512xf32>
      %max3A_150 = arith.maximumf %max3A_149, %sub3A_147 : vector<8x512xf32>
      %mul3A_151 = arith.mulf %max3A_146, %max3A_150 : vector<8x512xf32>
      %sub3A_152 = arith.subf %broadcast_in_dim3A_98, %broadcast_in_dim3A_86 : vector<8x1xf32>
      %jit3A_153 = arith.constant 0.000000e+00 : f32
      %max3A_154 = vector.broadcast %jit3A_153 : f32 to vector<8x1xf32>
      %max3A_155 = arith.maximumf %max3A_154, %sub3A_152 : vector<8x1xf32>
      %sub3A_156 = arith.subf %broadcast_in_dim3A_104, %broadcast_in_dim3A_92 : vector<8x1xf32>
      %jit3A_157 = arith.constant 0.000000e+00 : f32
      %max3A_158 = vector.broadcast %jit3A_157 : f32 to vector<8x1xf32>
      %max3A_159 = arith.maximumf %max3A_158, %sub3A_156 : vector<8x1xf32>
      %mul3A_160 = arith.mulf %max3A_155, %max3A_159 : vector<8x1xf32>
      %add3A_161 = vector.broadcast %mul3A_160 : vector<8x1xf32> to vector<8x512xf32>
      %add3A_162 = arith.addf %add3A_161, %mul3A : vector<8x512xf32>
      %sub3A_163 = arith.subf %add3A_162, %mul3A_151 : vector<8x512xf32>
      %add3A_164 = arith.constant 9.99999971E-10 : f32
      %add3A_165 = vector.broadcast %add3A_164 : f32 to vector<8x512xf32>
      %add3A_166 = arith.addf %sub3A_163, %add3A_165 : vector<8x512xf32>
      %div3A = arith.divf %mul3A_151, %add3A_166 : vector<8x512xf32>
      %gt3A_167 = arith.constant 5.000000e-01 : f32
      %gt3A_168 = vector.broadcast %gt3A_167 : f32 to vector<8x512xf32>
      %gt3A_169 = arith.cmpf ogt, %div3A, %gt3A_168 : vector<8x512xf32>
      %eq3A_170 = vector.broadcast %broadcast_in_dim3A_110 : vector<8x1xf32> to vector<8x512xf32>
      %eq3A_171 = arith.cmpf oeq, %convert_element_type3A, %eq3A_170 : vector<8x512xf32>
      %and3A_172 = arith.andi %gt3A_169, %eq3A_171 : vector<8x512xi1>
      %or3A = arith.ori %and3A_172, %eq3A_81 : vector<8x512xi1>
      %jit3A_173 = arith.constant -1.000000e+00 : f32
      %broadcast_in_dim3A_174 = vector.broadcast %jit3A_173 : f32 to vector<8x512xf32>
      %select_n3A_175 = arith.select %or3A, %broadcast_in_dim3A_174, %scan3A_64 : vector<8x512xi1>, vector<8x512xf32>
      scf.yield %select_n3A_175, %add3A, %select_n3A_119, %select_n3A_122, %select_n3A_125, %select_n3A_128, %select_n3A_131, %select_n3A_134 : vector<8x512xf32>, vector<8x1xi32>, vector<8x128xf32>, vector<8x128xf32>, vector<8x128xf32>, vector<8x128xf32>, vector<8x128xf32>, vector<8x128xf32>
    }
    %scan3A_45 = arith.constant 100 : i32
    %swap3A = arith.constant 0 : index
    %swap3A_46 = arith.constant 0 : index
    %swap3A_47 = vector.load %arg3[%swap3A, %swap3A_46] : memref<8x1xi32, #tpu.memory_space<vmem>>, vector<8x1xi32>
    tpu.vector_store %arg3[%swap3A, %swap3A_46], %scan3A_44#1 {strides = array<i32>} : memref<8x1xi32, #tpu.memory_space<vmem>>, vector<8x1xi32>,
    %broadcast_in_dim3A_48 = vector.shape_cast %scan3A_44#2 : vector<8x128xf32> to vector<8x1x128xf32>
    %broadcast_in_dim3A_49 = vector.shape_cast %scan3A_44#3 : vector<8x128xf32> to vector<8x1x128xf32>
    %broadcast_in_dim3A_50 = vector.shape_cast %scan3A_44#4 : vector<8x128xf32> to vector<8x1x128xf32>
    %broadcast_in_dim3A_51 = vector.shape_cast %scan3A_44#5 : vector<8x128xf32> to vector<8x1x128xf32>
    %concatenate3A = tpu.concatenate %broadcast_in_dim3A_48, %broadcast_in_dim3A_49, %broadcast_in_dim3A_50, %broadcast_in_dim3A_51 in 1 : vector<8x1x128xf32>, vector<8x1x128xf32>, vector<8x1x128xf32>, vector<8x1x128xf32> -> vector<8x4x128xf32>
    %swap3A_52 = arith.constant 0 : index
    %swap3A_53 = arith.constant 0 : index
    %swap3A_54 = arith.constant 0 : index
    %swap3A_55 = vector.load %arg4[%swap3A_52, %swap3A_53, %swap3A_54] : memref<8x4x128xf32, #tpu.memory_space<vmem>>, vector<8x4x128xf32>
    tpu.vector_store %arg4[%swap3A_52, %swap3A_53, %swap3A_54], %concatenate3A {strides = array<i32>} : memref<8x4x128xf32, #tpu.memory_space<vmem>>, vector<8x4x128xf32>,
    %swap3A_56 = arith.constant 0 : index
    %swap3A_57 = arith.constant 0 : index
    %swap3A_58 = vector.load %arg5[%swap3A_56, %swap3A_57] : memref<8x128xf32, #tpu.memory_space<vmem>>, vector<8x128xf32>
    tpu.vector_store %arg5[%swap3A_56, %swap3A_57], %scan3A_44#6 {strides = array<i32>} : memref<8x128xf32, #tpu.memory_space<vmem>>, vector<8x128xf32>,
    %convert_element_type3A_59 = arith.fptosi %scan3A_44#7 : vector<8x128xf32> to vector<8x128xi32>
    %swap3A_60 = arith.constant 0 : index
    %swap3A_61 = arith.constant 0 : index
    %swap3A_62 = vector.load %arg6[%swap3A_60, %swap3A_61] : memref<8x128xi32, #tpu.memory_space<vmem>>, vector<8x128xi32>
    tpu.vector_store %arg6[%swap3A_60, %swap3A_61], %convert_element_type3A_59 {strides = array<i32>} : memref<8x128xi32, #tpu.memory_space<vmem>>, vector<8x128xi32>,
    return
  }
}

</mosaic_0001>

<sc_bundles>
// kernel: kernel.6.cloned.1.call-start
scs
__scs_entry_jumppad:
0x0: {  	(pc) =	sbr.rel $0x88, $3  }
0x1: {  	(tag) =	ssettag $0x0;
	lr =	simm.s32 $0x1  }
0x2: {  	[smem:$0x3FA0] =	sst lr;
	_ =	strace $0xD0000000  }
0x3: {  	_ = 	snop  }
0x4: {  	_ = 	snop  }
0x5: {  	_ = 	snop  }
0x6: {  	_ = 	snop  }
0x7: {  	_ = 	snop  }
__scs_overlays_trampoline_lowered:
0x8: {  	[smem:$0x3FAF] =	sst s0  }
0x9: {  	[smem:$0x3FB0] =	sst s1  }
0xa: {  	[smem:$0x3FB1] =	sst s2  }
0xb: {  	[smem:$0x3FB2] =	sst s3  }
0xc: {  	[smem:$0x3FB3] =	sst s4  }
0xd: {  	[smem:$0x3FB4] =	sst s5  }
0xe: {  	[smem:$0x3FB5] =	sst s6  }
0xf: {  	[smem:$0x3FB6] =	sst s7  }
0x10: {  	[smem:$0x3FB7] =	sst s8  }
0x11: {  	[smem:$0x3FB8] =	sst s9;
	s0 =	simm.s32 @!p0 $0x0  }
0x12: {  	s1 =	sld [smem:$0x3F9E];
	s0 =	simm.s32 @p0 $0x1  }
0x13: {  	[smem:$0x3FB9] =	sst s0;
	s0 =	simm.s32 @!p1 $0x0  }
0x14: {  	s2 =	sld [smem:$0x3F9D];
	s0 =	simm.s32 @p1 $0x1  }
0x15: {  	[smem:$0x3FBA] =	sst s0;
	s0 =	simm.s32 @!p2 $0x0  }
0x16: {  	s3 =	sld [smem:$0x3FDB];
	s0 =	simm.s32 @p2 $0x1  }
0x17: {  	s4 =	simm.s32 $0x1BF5;
	[smem:$0x3FBC] =	sst s0  }
0x18: {  	s0 =	sld [smem:$0x3F9F];
	_ =	swait.ge [sflag:s4], $0x0  }
0x19: {  	s7 =	sld [smem:$0x3FA0]  }
0x1a: {  	s8 =	sadd.s32 $0xFFFFE003, lr  }
0x1b: {  	s9 =	sadd.s32 $0xFFFFFEF7, lr;
	s5 =	simm.s32 $0xFFFFFFFF;
	p2 =	slt.u32 s8, $0xFFFFF086  }
0x1c: {  	p1 =	slt.u32 s9, $0xF7A;
	s5 =	simm.s32 @!p2 $0x0  }
0x1d: {  	s5 =	simm.s32 @p1 $0x1;
	p0 =	seq.s32 s7, s2  }
0x1e: {  	s7 =	smul.u32 @!p0 $0xF7A, s2;
	p2 =	seq.s32 @!p0 s5, $0x0  }
0x1f: {  	s9 =	smul.u32 $0xF7A, s1;
	s8 =	simm.s32 @!p0 $0x1BF5;
	p2 =	por !p2, p0  }
0x20: {  	[sflag:s8] =	ssyncset.s32 @!p0 $0xFFFFF086;
	s6 =	sadd.s32 @!p0 s3, s7;
	s7 =	simm.s32 @!p0 $0x108  }
0x21: {  	s3 =	sadd.s32 s3, s9;
	s6 =	sadd.s32 @!p0 $0x88, s6;
	s7 =	simm.s32 @p2 $0x1082  }
0x22: {  	[simem:s7], [sflag:s8] =	dma.local @!p0 [hbm:s6], $0xF7A  }
0x23: {  	s9 =	sor.u32 $0xD0000000, s2;
	s6 =	simm.s32 $0x108;
	_ =	swait.ge @!p0 [sflag:s8], $0x0  }
0x24: {  	s3 =	sadd.s32 $0x88, s3;
	s6 =	simm.s32 @!p1 $0x1082;
	[sflag:s4] =	ssyncset.s32 $0xFFFFF086  }
0x25: {  	[simem:s6], [sflag:s4] =	dma.local [hbm:s3], $0xF7A  }
0x26: {  	[smem:$0x3FA0] =	sst s1;
	(tag) =	ssettag s2;
	_ =	strace s9  }
0x27: {  	s1 =	sld [smem:$0x3FB0]  }
0x28: {  	s2 =	sld [smem:$0x3FB1]  }
0x29: {  	s4 =	sld [smem:$0x3FB3]  }
0x2a: {  	p0 =	seq.s32 s5, $0x0;
	s5 =	sld [smem:$0x3FB4]  }
0x2b: {  	s6 =	sld [smem:$0x3FB5]  }
0x2c: {  	s7 =	sld [smem:$0x3FB6]  }
0x2d: {  	s3 =	simm.s32 $0x108;
	s8 =	sld [smem:$0x3FB7]  }
0x2e: {  	s3 =	simm.s32 @!p0 $0x1082;
	s9 =	sld [smem:$0x3FB8]  }
0x2f: {  	lr =	sadd.s32 s0, s3;
	s0 =	sld [smem:$0x3FAF]  }
0x30: {  	s3 =	sld [smem:$0x3FB2]  }
0x31: {  	[smem:$0x3FBB] =	sst s10  }
0x32: {  	s10 =	sld [smem:$0x3FB9];
	_ =	sdelay $0x3  }
0x33: {  	p0 =	seq.s32 s10, $0x1;
	s10 =	sld [smem:$0x3FBB];
	_ =	sdelay $0x3  }
0x34: {  	[smem:$0x3FBB] =	sst s10  }
0x35: {  	s10 =	sld [smem:$0x3FBA];
	_ =	sdelay $0x3  }
0x36: {  	p1 =	seq.s32 s10, $0x1;
	s10 =	sld [smem:$0x3FBB];
	_ =	sdelay $0x3  }
0x37: {  	[smem:$0x3FBB] =	sst s10  }
0x38: {  	s10 =	sld [smem:$0x3FBC]  }
0x39: {  	_ = 	snop;
	(pc) =	sbr.ind lr, $3  }
0x3a: {  	_ = 	snop  }
0x3b: {  	_ = 	snop  }
0x3c: {  	p2 =	seq.s32 s10, $0x1;
	s10 =	sld [smem:$0x3FBB]  }
0x3d: {  	_ =	shalt  }
0x3e: {  	_ =	shalt  }
0x3f: {  	_ =	shalt  }
0x40: {  	_ =	shalt  }
0x41: {  	_ =	shalt  }
0x42: {  	_ =	shalt  }
0x43: {  	_ =	shalt  }
0x44: {  	_ =	shalt  }
0x45: {  	_ =	shalt  }
0x46: {  	_ =	shalt  }
0x47: {  	_ =	shalt  }
0x48: {  	_ =	shalt  }
0x49: {  	_ =	shalt  }
0x4a: {  	_ =	shalt  }
0x4b: {  	_ =	shalt  }
0x4c: {  	_ =	shalt  }
0x4d: {  	_ =	shalt  }
0x4e: {  	_ =	shalt  }
0x4f: {  	_ =	shalt  }
0x50: {  	_ =	shalt  }
0x51: {  	_ =	shalt  }
0x52: {  	_ =	shalt  }
0x53: {  	_ =	shalt  }
0x54: {  	_ =	shalt  }
0x55: {  	_ =	shalt  }
0x56: {  	_ =	shalt  }
0x57: {  	_ =	shalt  }
0x58: {  	_ =	shalt  }
0x59: {  	_ =	shalt  }
0x5a: {  	_ =	shalt  }
0x5b: {  	_ =	shalt  }
0x5c: {  	_ =	shalt  }
0x5d: {  	_ =	shalt  }
0x5e: {  	_ =	shalt  }
0x5f: {  	_ =	shalt  }
0x60: {  	_ =	shalt  }
0x61: {  	_ =	shalt  }
0x62: {  	_ =	shalt  }
0x63: {  	_ =	shalt  }
0x64: {  	_ =	shalt  }
0x65: {  	_ =	shalt  }
0x66: {  	_ =	shalt  }
0x67: {  	_ =	shalt  }
0x68: {  	_ =	shalt  }
0x69: {  	_ =	shalt  }
0x6a: {  	_ =	shalt  }
0x6b: {  	_ =	shalt  }
0x6c: {  	_ =	shalt  }
0x6d: {  	_ =	shalt  }
0x6e: {  	_ =	shalt  }
0x6f: {  	_ =	shalt  }
0x70: {  	_ =	shalt  }
0x71: {  	_ =	shalt  }
0x72: {  	_ =	shalt  }
0x73: {  	_ =	shalt  }
0x74: {  	_ =	shalt  }
0x75: {  	_ =	shalt  }
0x76: {  	_ =	shalt  }
0x77: {  	_ =	shalt  }
0x78: {  	_ =	shalt  }
0x79: {  	_ =	shalt  }
0x7a: {  	_ =	shalt  }
0x7b: {  	_ =	shalt  }
0x7c: {  	_ =	shalt  }
0x7d: {  	_ =	shalt  }
0x7e: {  	_ =	shalt  }
0x7f: {  	_ =	shalt  }
0x80: {  	_ =	shalt  }
0x81: {  	_ =	shalt  }
0x82: {  	_ =	shalt  }
0x83: {  	_ =	shalt  }
0x84: {  	_ =	shalt  }
0x85: {  	_ =	shalt  }
0x86: {  	_ =	shalt  }
0x87: {  	_ =	shalt  }
.Lfunc_end0:
.L_simem_size_0:
called_computation_lowered:
.L_overlay_start_0:
0x88: {  	s2 =	sld [smem:$0x3FD9]  }
0x89: {  	s3 =	sld [smem:$0x3FFE];
	_ =	sdelay $0x1  }
0x8a: {  	s1 =	srdreg.scid  }
0x8b: {  	s0 =	sand.u32 $0x1, s1  }
0x8c: {  	s14 =	sshll.u32 s0, $0xA;
	s2 =	sadd.s32 s3, s2  }
0x8d: {  	s2 =	sadd.s32 s2, s14  }
0x8e: {  	[smem:$0x3FC7] =	sst s2  }
0x8f: {  	_ = 	snop  }
0x90: {  	s2 =	sld [smem:$0x3FD0];
	_ =	sdelay $0x2  }
0x91: {  	s15 =	simm.s32 $0xA;
	s4 =	simm.s32 $0x10  }
0x92: {  	[smem:s4], [sflag:s15] =	dma.local [hbm:s2], $0x1  }
0x93: {  	_ =	swait.eq [sflag:s15], $0x1  }
0x94: {  	s16 =	sld [smem:$0x11];
	[sflag:s15] =	ssyncset.done $0x0  }
0x95: {  	s17 =	sld [smem:$0x12];
	[sflag:s15] =	ssyncadd.s32 $0xFFFFFFFF  }
0x96: {  	s18 =	sld [smem:$0x13];
	(tm) =	ssettm $0x1  }
0x97: {  	s5 =	sld [smem:$0x3FFB];
	_ =	sdelay $0x3  }
0x98: {  	_ =	strace s5  }
0x99: {  	s5 =	sld [smem:$0x3FFC];
	_ =	sdelay $0x3  }
0x9a: {  	_ =	strace s5  }
0x9b: {  	s5 =	sld [smem:$0x3FFD];
	_ =	sdelay $0x3  }
0x9c: {  	_ =	strace s5  }
0x9d: {  	_ =	strace $0x8FFFFFFF  }
0x9e: {  	s19 =	sld [smem:$0x3FDB];
	_ =	sdelay $0x1  }
0x9f: {  	s6 =	simm.s32 $_scs_section_size  }
0xa0: {  	s7 =	simm.s32 $_size__tile_overlayer_lowered;
	s8 =	simm.s32 $_tile_overlayer_lowered  }
0xa1: {  	s22 =	simm.s32 $0x1BFF;
	s21 =	sshll.u32 s8, $0x1;
	s5 =	sadd.s32 s6, s19  }
0xa2: {  	s9 =	simm.s32 $0x0;
	s20 =	sshll.u32 s7, $0x1;
	s7 =	sadd.s32 s21, s5  }
0xa3: {  	[timem:s9], [sflag:s22] =	dma.local [hbm:s7], s20  }
0xa4: {  	_ =	swait.ge [sflag:s22], s20  }
0xa5: {  	s6 =	ssub.s32 $0x0, s20;
	[sflag:s22] =	ssyncset.done $0x0  }
0xa6: {  	[sflag:s22] =	ssyncadd.s32 s6;
	_ =	sdelay $0x1  }
0xa7: {  	s23 =	simm.s32 $0x1B8B  }
0xa8: {  	_ =	swait.ge [sflag:s23], $0x1  }
0xa9: {  	[sflag:s23] =	ssyncset.done $0x0  }
0xaa: {  	s25 =	simm.s32 $0x1B8E;
	s24 =	sld [smem:$0x3FFE];
	[sflag:s23] =	ssyncadd.s32 $0xFFFFFFFF  }
0xab: {  	s26 =	simm.s32 $execute0_lowered;
	[smem:$0x3FD2] =	sst s25  }
0xac: {  	s7 =	sshll.u32 s26, $0x1;
	_ =	strace $0x80000046;
	[dreg:$0x1] =	wrdreg $0xFFFFFFFF  }
0xad: {  	s28 =	simm.s32 $_size_execute0_lowered;
	s5 =	sadd.s32 s5, s7;
	[dreg:$0x0] =	wrdreg $0x0  }
0xae: {  	s7 =	sshll.u32 s28, $0x1;
	[dreg:$0x2] =	wrdreg s5  }
0xaf: {  	[dreg:$0x3] =	wrdreg s7  }
0xb0: {  	[dreg:$0x4] =	wrdreg $0xC0  }
0xb1: {  	_ =	task [dreg:s9], $0x5FFFF  }
0xb2: {  	[dreg:$0x1] =	wrdreg $0xFFFFFFFF  }
0xb3: {  	[dreg:$0x0] =	wrdreg $0x60  }
0xb4: {  	[dreg:$0x2] =	wrdreg s24  }
0xb5: {  	[dreg:$0x3] =	wrdreg s18  }
0xb6: {  	[dreg:$0x4] =	wrdreg s17  }
0xb7: {  	[dreg:$0x5] =	wrdreg s16  }
0xb8: {  	[dreg:$0x6] =	wrdreg $0x9  }
0xb9: {  	_ =	task.clear_ibuf [dreg:s9], $0x7FFFF;
	_ =	strace $0x90000046  }
0xba: {  	s29 =	simm.s32 $0x9;
	_ =	strace $0x80000048  }
0xbb: {  	_ =	swait.ge [sflag:s29], $0x1  }
0xbc: {  	[sflag:s29] =	ssyncadd.s32 $0xFFFFFFFF  }
0xbd: {  	_ =	strace $0x90000048  }
0xbe: {  	_ =	sfence  }
0xbf: {  	s30 =	sld [smem:$0x0];
	_ =	sdelay $0x2  }
0xc0: {  	s31 =	sshll.u32 s1, $0xD;
	s1 =	sshrl.u32 s1, $0x2  }
0xc1: {  	s3 =	sand.u32 $0x4000, s31;
	s1 =	sadd.s32 s1, s30  }
0xc2: {  	s0 =	sor.u32 s3, s0;
	s1 =	sshll.u32 s1, $0x11  }
0xc3: {  	s0 =	sor.u32 s1, s0  }
0xc4: {  	s0 =	sadd.s32 $0x8F2B, s0  }
0xc5: {  	[sflag:s0] =	ssyncadd.remote.s32 $0x1  }
0xc6: {  	_ =	sfence.sel $0xFFFF  }
0xc7: {  	[dreg:$0x0] =	wrdreg $0xFFFFFFFF;
	(pc) =	sbr.abs _section_cstart, $3  }
0xc8: {  	[dreg:$0x1] =	wrdreg $0xFFFFFFFF  }
0xc9: {  	_ =	task.clear_ibuf [dreg:s9], $0x2FFFF;
	_ =	strace $0x9FFFFFFF  }
0xca: {  	(tm) =	ssettm $0x7FFFFFFF  }
0xcb: {  	_ =	shalt  }
tec
execute0_lowered:
.L_overlay_start_1:
0x0: {  	(tag) =	ssettag $0x1  }
0x1: {  	s3 =	stileid.u32  }
0x2: {  	p0 =	sgt.u32 s3, $0x3  }
.Ltmp0:
0x3: {  	s7 =	rddreg [dreg:$0x0];
	(pc) =	sbr.rel @p0 .LBB2_7-.Ltmp0, $4  }
0x4: {  	s14 =	rddreg [dreg:$0x1]  }
0x5: {  	s1 =	rddreg [dreg:$0x2];
	s2 =	simm.s32 $0x0  }
0x6: {  	[smem:$0x7FF] =	sst s2  }
0x7: {  	s0 =	rddreg [dreg:$0x3];
	_ =	strace $0x80000047  }
0x8: {  	v0 =	vimm.f32 $1.998300000e+04;
	vm0 =	vcmask $0x300  }
0x9: {  	vm1 =	vcmask $0x704;
	v1 =	vimm.f32 $1.999900000e+04;
	vm2 =	vcmask $0xB08  }
0xa: {  	vm4 =	vcmask $0xF0C;
	vm5 =	vcmask $0x1310;
	vm6 =	vcmask $0x1714  }
0xb: {  	vm7 =	vcmask $0x1B18;
	vm8 =	vcmask $0x1F1C;
	v0 =	vsel vm0, $0x469C0000, v0  }
0xc: {  	s4 =	sadd.s32 $0x1B6000, s7;
	vm9 =	vcmask $0x2320;
	v1 =	vsel vm0, $0x469C2000, v1;
	v0 =	vsel vm1, $0x469C0200, v0  }
0xd: {  	s3 =	srdreg.scid;
	s13 =	simm.s32 $0x400;
	s16 =	simm.s32 $0x9D00;
	v1 =	vsel vm1, $0x469C2200, v1;
	v0 =	vsel vm2, $0x469C0400, v0  }
0xe: {  	s22 =	stileid.u32;
	s17 =	simm.s32 $0xEB80;
	s21 =	simm.s32 $0x18880;
	v1 =	vsel vm2, $0x469C2400, v1;
	v0 =	vsel vm4, $0x469C0600, v0  }
0xf: {  	vm10 =	vcmask $0x2724;
	s29 =	simm.s32 $0x1D800;
	s19 =	sand.u32 $0x1, s3;
	s3 =	sshll.u32 s22, $0x1;
	v1 =	vsel vm4, $0x469C2600, v1;
	v0 =	vsel vm5, $0x469C0800, v0  }
0x10: {  	s30 =	simm.s32 $0x1DA00;
	s31 =	simm.s32 $0x1DC00;
	s5 =	sor.u32 s19, s3;
	v1 =	vsel vm5, $0x469C2800, v1;
	v0 =	vsel vm6, $0x469C0A00, v0  }
0x11: {  	vm11 =	vcmask $0x2B28;
	s25 =	ssub.s32 $0x2, s19;
	s19 =	simm.s32 $0x13A00;
	s3 =	sshll.u32 s5, $0x4;
	v1 =	vsel vm6, $0x469C2A00, v1;
	v0 =	vsel vm7, $0x469C0C00, v0  }
0x12: {  	vm12 =	vcmask $0x2F2C;
	s6 =	sshll.u32 s5, $0x8;
	s9 =	smul.u32 $0x35F80, s5;
	s8 =	sadd.s32 s3, s7;
	v1 =	vsel vm7, $0x469C2C00, v1;
	v0 =	vsel vm8, $0x469C0E00, v0  }
0x13: {  	vm13 =	vcmask $0x3330;
	s28 =	simm.s32 $0x1;
	s12 =	sadd.s32 s6, s7;
	s23 =	sadd.s32 $0x1BB800, s8;
	v1 =	vsel vm8, $0x469C2E00, v1;
	v0 =	vsel vm9, $0x469C1000, v0  }
0x14: {  	vm14 =	vcmask $0x3734;
	s26 =	sshrl.u32 s25, $0x1;
	s15 =	sadd.s32 s14, s3;
	s24 =	sadd.s32 $0x1BB010, s12;
	v1 =	vsel vm9, $0x469C3000, v1;
	v0 =	vsel vm10, $0x469C1200, v0  }
0x15: {  	s18 =	sadd.s32 s1, s3;
	s20 =	sadd.s32 s0, s3;
	s5 =	sadd.s32 $0x1BB020, s12;
	v1 =	vsel vm10, $0x469C3200, v1;
	v0 =	vsel vm11, $0x469C1400, v0  }
0x16: {  	s0 =	ssub.s32 s25, s26;
	s22 =	sadd.s32 s4, s3;
	s6 =	sadd.s32 $0x1BB030, s12;
	v1 =	vsel vm11, $0x469C3400, v1;
	v0 =	vsel vm12, $0x469C1600, v0  }
0x17: {  	vm15 =	vcmask $0x3B38;
	s25 =	simm.s32 $0x80;
	s11 =	sadd.s32 s9, s7;
	s7 =	sadd.s32 $0x1B1000, s8;
	v1 =	vsel vm12, $0x469C3600, v1;
	v0 =	vsel vm13, $0x469C1800, v0  }
0x18: {  	v3 =	vimm.s32 $0x0;
	s12 =	sadd.s32 $0x1BB000, s12;
	[dreg:$0x5] =	wrdreg s23;
	s8 =	sadd.s32 $0x1400, s11;
	v1 =	vsel vm13, $0x469C3800, v1;
	v0 =	vsel vm14, $0x469C1A00, v0  }
0x19: {  	[dreg:$0x6] =	wrdreg s24;
	s9 =	sadd.s32 $0x1410, s11;
	s10 =	sadd.s32 $0x1420, s11;
	v2 =	vsel vm14, $0x469C3A00, v1;
	v1 =	vlaneseq.u32;
	v0 =	vsel vm15, $0x469C1C00, v0  }
0x1a: {  	s11 =	sadd.s32 $0x1430, s11;
	s24 =	smax.u32 s0, $0x1;
	s0 =	simm.s32 $0x200;
	v2 =	vsel vm15, $0x469C3C00, v2;
	v4 =	vor.u32 $0x4E00, v1;
	v5 =	vor.u32 $0x4E10, v1  }
.LBB2_2:
0x1b: {  	s1 =	simm.s32 $0x0  }
0x1c: {  	[tilespmem:s1], [sflag:$0x1] =	stream.strided.gather [hbm4b:s22+s25], $0x4E80, s13, s25, $0x38;
	[tilespmem:$0x1E600] =	vst v63  }
0x1d: {  	_ =	swait.ge [sflag:s28], $0x4E80  }
0x1e: {  	[sflag:s28] =	ssyncset.done $0x0  }
0x1f: {  	s3 =	simm.s32 $0x4E80;
	[sflag:s28] =	ssyncadd.s32 $0xFFFFB180  }
0x20: {  	[tilespmem:s3], [sflag:$0x1] =	stream.strided.gather [hbm4b:s7+s25], $0x4E80, s13, s25, $0x38;
	[tilespmem:$0x1E600] =	vst v63  }
0x21: {  	_ =	swait.ge [sflag:s28], $0x4E80  }
0x22: {  	[sflag:s28] =	ssyncset.done $0x0  }
0x23: {  	[sflag:s28] =	ssyncadd.s32 $0xFFFFB180  }
0x24: {  	[tilespmem:s16], [sflag:$0x1] =	stream.strided.gather [hbm4b:s8+s25], $0x4E80, s13, s25, $0x38;
	[tilespmem:$0x1E600] =	vst v63  }
0x25: {  	_ =	swait.ge [sflag:s28], $0x4E80  }
0x26: {  	[sflag:s28] =	ssyncset.done $0x0  }
0x27: {  	[sflag:s28] =	ssyncadd.s32 $0xFFFFB180  }
0x28: {  	[tilespmem:s17], [sflag:$0x1] =	stream.strided.gather [hbm4b:s9+s25], $0x4E80, s13, s25, $0x38;
	[tilespmem:$0x1E600] =	vst v63  }
0x29: {  	_ =	swait.ge [sflag:s28], $0x4E80  }
0x2a: {  	[sflag:s28] =	ssyncset.done $0x0  }
0x2b: {  	[sflag:s28] =	ssyncadd.s32 $0xFFFFB180  }
0x2c: {  	[tilespmem:s19], [sflag:$0x1] =	stream.strided.gather [hbm4b:s10+s25], $0x4E80, s13, s25, $0x38;
	[tilespmem:$0x1E600] =	vst v63  }
0x2d: {  	_ =	swait.ge [sflag:s28], $0x4E80  }
0x2e: {  	[sflag:s28] =	ssyncset.done $0x0  }
0x2f: {  	[sflag:s28] =	ssyncadd.s32 $0xFFFFB180  }
0x30: {  	[tilespmem:s21], [sflag:$0x1] =	stream.strided.gather [hbm4b:s11+s25], $0x4E80, s13, s25, $0x38;
	[tilespmem:$0x1E600] =	vst v63  }
0x31: {  	_ =	swait.ge [sflag:s28], $0x4E80  }
0x32: {  	[sflag:s28] =	ssyncset.done $0x0  }
0x33: {  	s23 =	simm.s32 $0x1D700;
	[sflag:s28] =	ssyncadd.s32 $0xFFFFB180  }
0x34: {  	[tilespmem:s23], [sflag:$0x1] =	stream.linear.gather [hbm4b:s15+s1], $0x80, $0x38;
	[tilespmem:$0x1E600] =	vst v63  }
0x35: {  	_ =	swait.ge [sflag:s28], $0x80  }
0x36: {  	[sflag:s28] =	ssyncset.done $0x0  }
0x37: {  	s26 =	simm.s32 $0x1D780;
	[sflag:s28] =	ssyncadd.s32 $0xFFFFFF80  }
0x38: {  	[tilespmem:s26], [sflag:$0x1] =	stream.linear.gather [hbm4b:s18+s1], $0x80, $0x38;
	[tilespmem:$0x1E600] =	vst v63  }
0x39: {  	_ =	swait.ge [sflag:s28], $0x80  }
0x3a: {  	[sflag:s28] =	ssyncset.done $0x0  }
0x3b: {  	[sflag:s28] =	ssyncadd.s32 $0xFFFFFF80  }
0x3c: {  	v7 =	vld [tilespmem:$0x1D780];
	_ =	sdelay $0x4  }
0x3d: {  	s14 =	simm.s32 $0xFFFFFFFC;
	v8 =	vimm.s32 $0x0;
	s23 =	simm.s32 $0x20;
	s26 =	simm.s32 $0x4EA0;
	v6 =	vld [tilespmem:$0x1D700];
	v7 =	vcvt.s32.f32 v7  }
.LBB2_3:
0x3e: {  	v9 =	vld [tilespmem:s23+$0xFFFFFFE0];
	_ =	sdelay $0x1  }
0x3f: {  	v10 =	vor.u32 s1, v1  }
0x40: {  	v11 =	vcvt.s32.f32 v10;
	_ =	sdelay $0x1  }
0x41: {  	vm1 =	vlt.f32 v11, v7;
	vm0 =	veq.f32 v9, v6  }
0x42: {  	vm2 =	vgt.f32 v9, v6;
	vm0 =	vmand vm1, vm0  }
0x43: {  	vm0 =	vmor vm2, vm0  }
0x44: {  	v11 =	vsel vm0, $0x1, v3  }
0x45: {  	(xrf0) =	vadd.scan.msk.s32 $0xffff, v11;
	_ =	sdelay $0x5  }
0x46: {  	v11, _, _ =	vpop (xrf0)  }
0x47: {  	v11 =	vadd.s32 v11, v8  }
0x48: {  	v11 =	vadd.s32 $0xFFFFFFFF, v11;
	_ =	sdelay $0x1  }
0x49: {  	v12 =	vld [tilespmem:s26+$0xFFFFFFE0];
	_ =	sdelay $0x2  }
0x4a: {  	[tilespmem:v11+s29+$0x0] =	vst.idx.msk vm0, v10  }
0x4b: {  	[tilespmem:v11+s30+$0x0] =	vst.idx.msk vm0, v9  }
0x4c: {  	[tilespmem:v11+s31+$0x0] =	vst.idx.msk vm0, v12  }
0x4d: {  	v9 =	vld [tilespmem:s23+$0xFFFFFFF0]  }
0x4e: {  	s3 =	sadd.s32 $0x10, s1  }
0x4f: {  	v10 =	vor.u32 s3, v1  }
0x50: {  	v11 =	vcvt.s32.f32 v10;
	_ =	sdelay $0x1  }
0x51: {  	vm8 =	vlt.f32 v11, v7;
	vm7 =	veq.f32 v9, v6  }
0x52: {  	vm9 =	vgt.f32 v9, v6;
	vm1 =	vmand vm8, vm7  }
0x53: {  	vm1 =	vmor vm9, vm1  }
0x54: {  	v11 =	vsel vm1, $0x1, v3  }
0x55: {  	(xrf0) =	vadd.scan.msk.s32 $0xffff, v11;
	_ =	sdelay $0x1  }
0x56: {  	v11 =	vmpcnt.ones.xlane vm0;
	_ =	sdelay $0x3  }
0x57: {  	v8 =	vadd.s32 v8, v11;
	v11, _, _ =	vpop (xrf0)  }
0x58: {  	v11 =	vadd.s32 v11, v8  }
0x59: {  	v11 =	vadd.s32 $0xFFFFFFFF, v11;
	_ =	sdelay $0x1  }
0x5a: {  	v12 =	vld [tilespmem:s26+$0xFFFFFFF0];
	_ =	sdelay $0x2  }
0x5b: {  	[tilespmem:v11+s29+$0x0] =	vst.idx.msk vm1, v10  }
0x5c: {  	[tilespmem:v11+s30+$0x0] =	vst.idx.msk vm1, v9  }
0x5d: {  	[tilespmem:v11+s31+$0x0] =	vst.idx.msk vm1, v12  }
0x5e: {  	v9 =	vld [tilespmem:s23+$0x0]  }
0x5f: {  	s4 =	sadd.s32 $0x20, s1  }
0x60: {  	v10 =	vor.u32 s4, v1  }
0x61: {  	v11 =	vcvt.s32.f32 v10;
	_ =	sdelay $0x1  }
0x62: {  	vm11 =	vlt.f32 v11, v7;
	vm10 =	veq.f32 v9, v6  }
0x63: {  	vm12 =	vgt.f32 v9, v6;
	vm0 =	vmand vm11, vm10  }
0x64: {  	vm0 =	vmor vm12, vm0  }
0x65: {  	v11 =	vsel vm0, $0x1, v3  }
0x66: {  	(xrf0) =	vadd.scan.msk.s32 $0xffff, v11;
	_ =	sdelay $0x1  }
0x67: {  	v11 =	vmpcnt.ones.xlane vm1;
	_ =	sdelay $0x3  }
0x68: {  	v8 =	vadd.s32 v8, v11;
	v11, _, _ =	vpop (xrf0)  }
0x69: {  	v11 =	vadd.s32 v11, v8  }
0x6a: {  	v11 =	vadd.s32 $0xFFFFFFFF, v11;
	_ =	sdelay $0x1  }
0x6b: {  	v12 =	vld [tilespmem:s26+$0x0];
	_ =	sdelay $0x2  }
0x6c: {  	[tilespmem:v11+s29+$0x0] =	vst.idx.msk vm0, v10  }
0x6d: {  	[tilespmem:v11+s30+$0x0] =	vst.idx.msk vm0, v9  }
0x6e: {  	[tilespmem:v11+s31+$0x0] =	vst.idx.msk vm0, v12  }
0x6f: {  	v9 =	vld [tilespmem:s23+$0x10]  }
0x70: {  	s4 =	sadd.s32 $0x30, s1  }
0x71: {  	v10 =	vor.u32 s4, v1  }
0x72: {  	v11 =	vcvt.s32.f32 v10;
	_ =	sdelay $0x1  }
0x73: {  	vm14 =	vlt.f32 v11, v7;
	vm13 =	veq.f32 v9, v6  }
0x74: {  	vm15 =	vgt.f32 v9, v6;
	vm1 =	vmand vm14, vm13  }
0x75: {  	vm1 =	vmor vm15, vm1  }
0x76: {  	v11 =	vsel vm1, $0x1, v3  }
0x77: {  	(xrf0) =	vadd.scan.msk.s32 $0xffff, v11;
	_ =	sdelay $0x1  }
0x78: {  	v11 =	vmpcnt.ones.xlane vm0;
	_ =	sdelay $0x3  }
0x79: {  	v8 =	vadd.s32 v8, v11;
	v11, _, _ =	vpop (xrf0)  }
0x7a: {  	v11 =	vadd.s32 v11, v8  }
0x7b: {  	v11 =	vadd.s32 $0xFFFFFFFF, v11  }
0x7c: {  	s14 =	sadd.s32 $0x4, s14  }
0x7d: {  	p0 =	slt.u32 s14, $0x4DC;
	v12 =	vld [tilespmem:s26+$0x10]  }
.Ltmp1:
0x7e: {  	_ = 	snop;
	(pc) =	sbr.rel @p0 .LBB2_3-.Ltmp1, $4  }
0x7f: {  	_ = 	snop  }
0x80: {  	[tilespmem:v11+s29+$0x0] =	vst.idx.msk vm1, v10;
	v10 =	vmpcnt.ones.xlane vm1  }
0x81: {  	[tilespmem:v11+s30+$0x0] =	vst.idx.msk vm1, v9  }
0x82: {  	s1 =	sadd.s32 $0x40, s1;
	s23 =	sadd.s32 $0x40, s23;
	s26 =	sadd.s32 $0x40, s26;
	[tilespmem:v11+s31+$0x0] =	vst.idx.msk vm1, v12;
	v8 =	vadd.s32 v8, v10  }
0x83: {  	v9 =	vld [tilespmem:$0x4E00];
	_ =	sdelay $0x4  }
0x84: {  	vm1 =	vgt.f32 v7, v0;
	vm0 =	veq.f32 v9, v6  }
0x85: {  	vm2 =	vgt.f32 v9, v6;
	vm0 =	vmand vm1, vm0  }
0x86: {  	vm0 =	vmor vm2, vm0  }
0x87: {  	v10 =	vsel vm0, $0x1, v3  }
0x88: {  	(xrf0) =	vadd.scan.msk.s32 $0xffff, v10;
	_ =	sdelay $0x5  }
0x89: {  	v8 =	vadd.s32 $0xFFFFFFFF, v8;
	v10, _, _ =	vpop (xrf0)  }
0x8a: {  	v10 =	vadd.s32 v10, v8;
	_ =	sdelay $0x1  }
0x8b: {  	v11 =	vld [tilespmem:$0x9C80];
	_ =	sdelay $0x2  }
0x8c: {  	[tilespmem:v10+s29+$0x0] =	vst.idx.msk vm0, v4  }
0x8d: {  	[tilespmem:v10+s30+$0x0] =	vst.idx.msk vm0, v9  }
0x8e: {  	[tilespmem:v10+s31+$0x0] =	vst.idx.msk vm0, v11  }
0x8f: {  	v9 =	vld [tilespmem:$0x4E10];
	_ =	sdelay $0x4  }
0x90: {  	vm14 =	vgt.f32 v7, v2;
	vm13 =	veq.f32 v9, v6  }
0x91: {  	vm15 =	vgt.f32 v9, v6;
	vm1 =	vmand vm14, vm13  }
0x92: {  	vm1 =	vmor vm15, vm1  }
0x93: {  	v6 =	vsel vm1, $0x1, v3  }
0x94: {  	(xrf0) =	vadd.scan.msk.s32 $0xffff, v6;
	_ =	sdelay $0x3  }
0x95: {  	v6 =	vmpcnt.ones.xlane vm0;
	_ =	sdelay $0x1  }
0x96: {  	v6 =	vadd.s32 v6, v8;
	v7, _, _ =	vpop (xrf0)  }
0x97: {  	v6 =	vadd.s32 v7, v6;
	_ =	sdelay $0x1  }
0x98: {  	v7 =	vld [tilespmem:$0x9C90];
	_ =	sdelay $0x2  }
0x99: {  	[tilespmem:v6+s29+$0x0] =	vst.idx.msk vm1, v5  }
0x9a: {  	s1 =	simm.s32 $0xFFFFFFFC;
	s14 =	simm.s32 $0x1E420;
	s23 =	simm.s32 $0x1E220;
	[tilespmem:v6+s30+$0x0] =	vst.idx.msk vm1, v9  }
0x9b: {  	s26 =	simm.s32 $0x1E020;
	s3 =	simm.s32 $0x1DE20;
	s4 =	simm.s32 $0x1D820;
	[tilespmem:v6+s31+$0x0] =	vst.idx.msk vm1, v7  }
.LBB2_5:
0x9c: {  	v6 =	vld [tilespmem:s4+$0xFFFFFFE0];
	_ =	sdelay $0x7  }
0x9d: {  	v7 =	vld.idx.msk [tilespmem:v6+s19+$0x0], $0xffff  }
0x9e: {  	v8 =	vld.idx.msk [tilespmem:v6+s21+$0x0], $0xffff  }
0x9f: {  	v9 =	vld.idx.msk [tilespmem:v6+s16+$0x0], $0xffff  }
0xa0: {  	v6 =	vld.idx.msk [tilespmem:v6+s17+$0x0], $0xffff;
	_ =	sdelay $0x1  }
0xa1: {  	v7 =	vmul.f32 $5.000000000e-01, v7  }
0xa2: {  	v8 =	vmul.f32 $5.000000000e-01, v8  }
0xa3: {  	v10 =	vsub.f32 v9, v7  }
0xa4: {  	v11 =	vsub.f32 v6, v8  }
0xa5: {  	v7 =	vadd.f32 v7, v9;
	[tilespmem:s3+$0xFFFFFFE0] =	vst v10  }
0xa6: {  	v6 =	vadd.f32 v8, v6;
	[tilespmem:s26+$0xFFFFFFE0] =	vst v11  }
0xa7: {  	[tilespmem:s23+$0xFFFFFFE0] =	vst v7  }
0xa8: {  	[tilespmem:s14+$0xFFFFFFE0] =	vst v6  }
0xa9: {  	v6 =	vld [tilespmem:s4+$0xFFFFFFF0];
	_ =	sdelay $0x7  }
0xaa: {  	v7 =	vld.idx.msk [tilespmem:v6+s19+$0x0], $0xffff  }
0xab: {  	v52 =	vld.idx.msk [tilespmem:v6+s21+$0x0], $0xffff  }
0xac: {  	v53 =	vld.idx.msk [tilespmem:v6+s16+$0x0], $0xffff  }
0xad: {  	v6 =	vld.idx.msk [tilespmem:v6+s17+$0x0], $0xffff;
	_ =	sdelay $0x1  }
0xae: {  	v7 =	vmul.f32 $5.000000000e-01, v7  }
0xaf: {  	v8 =	vmul.f32 $5.000000000e-01, v52  }
0xb0: {  	v54 =	vsub.f32 v53, v7  }
0xb1: {  	v55 =	vsub.f32 v6, v8  }
0xb2: {  	v7 =	vadd.f32 v7, v53;
	[tilespmem:s3+$0xFFFFFFF0] =	vst v54  }
0xb3: {  	v6 =	vadd.f32 v8, v6;
	[tilespmem:s26+$0xFFFFFFF0] =	vst v55  }
0xb4: {  	[tilespmem:s23+$0xFFFFFFF0] =	vst v7  }
0xb5: {  	[tilespmem:s14+$0xFFFFFFF0] =	vst v6  }
0xb6: {  	v6 =	vld [tilespmem:s4+$0x0];
	_ =	sdelay $0x7  }
0xb7: {  	v7 =	vld.idx.msk [tilespmem:v6+s19+$0x0], $0xffff  }
0xb8: {  	v56 =	vld.idx.msk [tilespmem:v6+s21+$0x0], $0xffff  }
0xb9: {  	v57 =	vld.idx.msk [tilespmem:v6+s16+$0x0], $0xffff  }
0xba: {  	v6 =	vld.idx.msk [tilespmem:v6+s17+$0x0], $0xffff;
	_ =	sdelay $0x1  }
0xbb: {  	v7 =	vmul.f32 $5.000000000e-01, v7  }
0xbc: {  	v8 =	vmul.f32 $5.000000000e-01, v56  }
0xbd: {  	v58 =	vsub.f32 v57, v7  }
0xbe: {  	v59 =	vsub.f32 v6, v8  }
0xbf: {  	v7 =	vadd.f32 v7, v57;
	[tilespmem:s3+$0x0] =	vst v58  }
0xc0: {  	v6 =	vadd.f32 v8, v6;
	[tilespmem:s26+$0x0] =	vst v59  }
0xc1: {  	[tilespmem:s23+$0x0] =	vst v7  }
0xc2: {  	[tilespmem:s14+$0x0] =	vst v6  }
0xc3: {  	v6 =	vld [tilespmem:s4+$0x10];
	_ =	sdelay $0x7  }
0xc4: {  	v7 =	vld.idx.msk [tilespmem:v6+s19+$0x0], $0xffff  }
0xc5: {  	v60 =	vld.idx.msk [tilespmem:v6+s21+$0x0], $0xffff  }
0xc6: {  	v61 =	vld.idx.msk [tilespmem:v6+s16+$0x0], $0xffff  }
0xc7: {  	v6 =	vld.idx.msk [tilespmem:v6+s17+$0x0], $0xffff;
	_ =	sdelay $0x1  }
0xc8: {  	v7 =	vmul.f32 $5.000000000e-01, v7  }
0xc9: {  	s1 =	sadd.s32 $0x4, s1;
	v8 =	vmul.f32 $5.000000000e-01, v60  }
0xca: {  	p0 =	slt.u32 s1, $0x1C;
	v62 =	vsub.f32 v61, v7  }
.Ltmp2:
0xcb: {  	v63 =	vsub.f32 v6, v8;
	(pc) =	sbr.rel @p0 .LBB2_5-.Ltmp2, $4  }
0xcc: {  	v7 =	vadd.f32 v7, v61;
	[tilespmem:s3+$0x10] =	vst v62  }
0xcd: {  	v6 =	vadd.f32 v8, v6;
	[tilespmem:s26+$0x10] =	vst v63  }
0xce: {  	s4 =	sadd.s32 $0x40, s4;
	s3 =	sadd.s32 $0x40, s3;
	[tilespmem:s23+$0x10] =	vst v7  }
0xcf: {  	s26 =	sadd.s32 $0x40, s26;
	s23 =	sadd.s32 $0x40, s23;
	[tilespmem:s14+$0x10] =	vst v6;
	s14 =	sadd.s32 $0x40, s14  }
0xd0: {  	[hbm4b:s20+s25] =	stream.strided.scatter [tilespmem:s30], [sflag:$0x1], $0x200, s13, s25, $0x38;
	[tilespmem:$0x1E600] =	vst v63  }
0xd1: {  	_ =	swait.ge [sflag:s28], $0x200  }
0xd2: {  	[sflag:s28] =	ssyncset.done $0x0  }
0xd3: {  	s1 =	rddreg [dreg:$0x5];
	[sflag:s28] =	ssyncadd.s32 $0xFFFFFE00  }
0xd4: {  	[hbm4b:s1+s25] =	stream.strided.scatter [tilespmem:s31], [sflag:$0x1], $0x200, s13, s25, $0x38;
	[tilespmem:$0x1E600] =	vst v63  }
0xd5: {  	_ =	swait.ge [sflag:s28], $0x200  }
0xd6: {  	[sflag:s28] =	ssyncset.done $0x0  }
0xd7: {  	s4 =	simm.s32 $0x1DE00;
	[sflag:s28] =	ssyncadd.s32 $0xFFFFFE00  }
0xd8: {  	[hbm4b:s12+s25] =	stream.strided.scatter [tilespmem:s4], [sflag:$0x1], $0x200, s0, s25, $0x38;
	[tilespmem:$0x1E600] =	vst v63  }
0xd9: {  	_ =	swait.ge [sflag:s28], $0x200  }
0xda: {  	[sflag:s28] =	ssyncset.done $0x0  }
0xdb: {  	s3 =	simm.s32 $0x1E000;
	s14 =	rddreg [dreg:$0x6];
	[sflag:s28] =	ssyncadd.s32 $0xFFFFFE00  }
0xdc: {  	[hbm4b:s14+s25] =	stream.strided.scatter [tilespmem:s3], [sflag:$0x1], $0x200, s0, s25, $0x38;
	[tilespmem:$0x1E600] =	vst v63  }
0xdd: {  	_ =	swait.ge [sflag:s28], $0x200  }
0xde: {  	[sflag:s28] =	ssyncset.done $0x0  }
0xdf: {  	s23 =	simm.s32 $0x1E200;
	[sflag:s28] =	ssyncadd.s32 $0xFFFFFE00  }
0xe0: {  	[hbm4b:s5+s25] =	stream.strided.scatter [tilespmem:s23], [sflag:$0x1], $0x200, s0, s25, $0x38;
	[tilespmem:$0x1E600] =	vst v63  }
0xe1: {  	s2 =	sadd.s32 $0x1, s2;
	_ =	swait.ge [sflag:s28], $0x200  }
0xe2: {  	p0 =	sne.s32 s2, s24;
	[sflag:s28] =	ssyncset.done $0x0  }
.Ltmp3:
0xe3: {  	s26 =	simm.s32 $0x1E400;
	[sflag:s28] =	ssyncadd.s32 $0xFFFFFE00;
	(pc) =	sbr.rel @p0 .LBB2_2-.Ltmp3, $4  }
0xe4: {  	[hbm4b:s6+s25] =	stream.strided.scatter [tilespmem:s26], [sflag:$0x1], $0x200, s0, s25, $0x38;
	[tilespmem:$0x1E600] =	vst v63  }
0xe5: {  	_ =	swait.ge [sflag:s28], $0x200  }
0xe6: {  	[sflag:s28] =	ssyncset.done $0x0  }
0xe7: {  	[sflag:s28] =	ssyncadd.s32 $0xFFFFFE00  }
.LBB2_7:
0xe8: {  	_ =	sfence.sel $0x180000  }
0xe9: {  	[bflag:$0x0] =	sbarrier.arrive $0xFFFF  }
0xea: {  	_ =	strace $0x90000047  }
0xeb: {  	s0 =	stileid.u32;
	[bflag:$0x2] =	sbarrier.arrive $0xFFFF  }
0xec: {  	p0 =	sne.s32 s0, $0x0;
	s0 =	rddreg [dreg:$0x4]  }
0xed: {  	s0 =	sadd.s32 @!p0 $0x100000, s0  }
0xee: {  	[sflag:s0] =	ssyncadd.tile.s32 @!p0 $0x1;
	_ =	shalt  }
.Lfunc_end2:
_tile_overlayer_lowered:
.L_overlay_start_2:
0xef: {  	(tag) =	ssettag $0x2  }
0xf0: {  	s0 =	rddreg [dreg:$0x0];
	s2 =	stileid.u32  }
0xf1: {  	s1 =	rddreg [dreg:$0x1];
	p0 =	sne.s32 s2, $0x0  }
0xf2: {  	s3 =	rddreg [dreg:$0x2];
	[bflag:$0x3] =	sbarrier.arrive $0xFFFF;
	s2 =	simm.s32 @!p0 $0x1C01  }
0xf3: {  	[timem:s3], [sflag:s2] =	dma.local @!p0 [hbm:s0], s1  }
0xf4: {  	s0 =	simm.s32 @!p0 $0x1  }
0xf5: {  	_ =	swait.ge @!p0 [sflag:s0], s1  }
0xf6: {  	s1 =	ssub.s32 @!p0 $0x0, s1;
	[sflag:s0] =	ssyncset.done @!p0 $0x0  }
0xf7: {  	[sflag:s0] =	ssyncadd.s32 @!p0 s1  }
0xf8: {  	[bflag:$0x3] =	sbarrier.arrive $0xFFFF  }
0xf9: {  	_ =	shalt  }

</sc_bundles>
